<compile_context>
chip_gen: v7x
topology: tpu7x:2x2x1
jax: 0.10.2.dev20260603
libtpu: 0.0.44.dev20260713+nightly
codegen_flags: <defaults>
</compile_context>

<pallas_src>
import functools
import math

import jax
import jax.numpy as jnp
from jax.experimental import pallas as pl
from jax.experimental.pallas import tpu as pltpu
from jax.experimental.pallas import tpu_sc as plsc

S = 4096
IN = 1024
H = 16
D = 64
ED = H * D
C = 100
K = 8
SB = 1024
HB = 2
H2 = H // HB

bf16 = jnp.bfloat16
f32 = jnp.float32


def _ln(x, g, b, eps=1e-5):
    m = jnp.mean(x, axis=-1, keepdims=True)
    d = x - m
    v = jnp.mean(d * d, axis=-1, keepdims=True)
    return d * jax.lax.rsqrt(v + eps) * g + b


def _bdot(a, b):
    return jnp.dot(a.astype(bf16), b.astype(bf16), preferred_element_type=f32)


def _proj_kernel(x_ref, wih_ref, bih_ref, wq_ref, bq_ref, gq_ref, bbq_ref,
                 wv_ref, bv_ref, gv_ref, bbv_ref,
                 c_ref, q_ref, v_ref, idx_ref, cacc_ref):
    i = pl.program_id(0)
    xb = x_ref[...]
    cb = jnp.dot(xb, wih_ref[...], preferred_element_type=f32) + bih_ref[...]
    c_ref[...] = cb
    cacc_ref[pl.ds(i * SB, SB), :] = cb
    qp = _bdot(xb, wq_ref[...]) + bq_ref[...]
    q_ref[...] = _ln(qp, gq_ref[...], bbq_ref[...]).astype(bf16)
    vp = _bdot(xb, wv_ref[...]) + bv_ref[...]
    v_ref[...] = _ln(vp, gv_ref[...], bbv_ref[...]).astype(bf16)

    @pl.when(i == (S // SB) - 1)
    def _topk():
        cv = cacc_ref[...]
        iota = jax.lax.broadcasted_iota(jnp.int32, (S, C), 0)
        for k in range(K):
            m = jnp.max(cv, axis=0, keepdims=True)
            idx = jnp.min(jnp.where(cv >= m, iota, S), axis=0)
            idx_ref[k, :] = idx
            cv = jnp.where(iota == idx[None, :], -jnp.inf, cv)


CPAD = 128
BPAD = K * CPAD


def _sc_gather_body(x_hbm, idx_hbm, cf_hbm, idx_v, rows_v, sem):
    info = plsc.get_sparse_core_info()
    nw = info.num_cores * info.num_subcores
    bpw = BPAD // nw
    wid = jax.lax.axis_index("s") * info.num_cores + jax.lax.axis_index("c")
    base = wid * bpw
    pltpu.sync_copy(idx_hbm.at[pl.ds(base, bpw)], idx_v)
    pltpu.async_copy(x_hbm.at[idx_v], rows_v, sem).wait()
    pltpu.sync_copy(rows_v, cf_hbm.at[pl.ds(base, bpw)])


def _sc_gather(x, idx_flat):
    info = plsc.get_sparse_core_info()
    nw = info.num_cores * info.num_subcores
    bpw = BPAD // nw
    mesh = plsc.VectorSubcoreMesh(core_axis_name="c", subcore_axis_name="s")
    kfn = functools.partial(
        pl.kernel, mesh=mesh,
        out_type=jax.ShapeDtypeStruct((BPAD, IN), f32),
        scratch_types=[
            pltpu.VMEM((bpw,), jnp.int32),
            pltpu.VMEM((bpw, IN), f32),
            pltpu.SemaphoreType.DMA,
        ],
    )(_sc_gather_body)
    return kfn(x, idx_flat)


def _kproj_kernel(cf_ref, wk_ref, bk_ref, gk_ref, bbk_ref, k_ref, acc_ref):
    j = pl.program_id(0)
    contrib = _bdot(cf_ref[...], wk_ref[...])

    @pl.when(j == 0)
    def _():
        acc_ref[...] = contrib

    @pl.when(j > 0)
    def _():
        acc_ref[...] += contrib

    @pl.when(j == K - 1)
    def _():
        pre = acc_ref[:C, :] + bk_ref[...]
        kf = _ln(pre, gk_ref[...], bbk_ref[...]).astype(bf16)
        k_ref[...] = jnp.transpose(kf.reshape(C, H, D), (1, 0, 2))


def _attn_kernel(q_ref, k_ref, v_ref, attn_ref, val_ref):
    qb = q_ref[...]
    vb = v_ref[...]
    scale = 1.0 / math.sqrt(D)
    for hh in range(HB):
        qh = qb[:, hh * D:(hh + 1) * D]
        vh = vb[:, hh * D:(hh + 1) * D]
        kh = k_ref[hh]
        logits = jax.lax.dot_general(qh, kh, (((1,), (1,)), ((), ())),
                                     preferred_element_type=f32) * scale
        e = jnp.exp(logits)
        a = e / jnp.sum(e, axis=1, keepdims=True)
        attn_ref[hh, :, :] = a
        contrib = jax.lax.dot_general(a.astype(bf16), vh, (((0,), (0,)), ((), ())),
                                      preferred_element_type=f32)
        val_ref[hh, :, :] = contrib


def _out_kernel(val_ref, wp_ref, bp_ref, go_ref, bbo_ref, o_ref):
    vals = val_ref[...]
    acc = jnp.zeros((C, IN), f32)
    for h in range(H):
        acc += jnp.dot(vals[h], wp_ref[pl.ds(h * D, D), :],
                       preferred_element_type=f32)
    pre = acc + bp_ref[...]
    o_ref[...] = _ln(pre, go_ref[...], bbo_ref[...])


def kernel(x, W_ih, b_ih, W_k, b_k, g_k, bb_k, W_q, b_q, g_q, bb_q,
           W_v, b_v, g_v, bb_v, W_p, b_p, g_o, bb_o):
    b_ih2 = b_ih.reshape(1, C)
    b_q2, g_q2, bb_q2 = b_q.reshape(1, ED), g_q.reshape(1, ED), bb_q.reshape(1, ED)
    b_v2, g_v2, bb_v2 = b_v.reshape(1, ED), g_v.reshape(1, ED), bb_v.reshape(1, ED)
    b_k2, g_k2, bb_k2 = b_k.reshape(1, ED), g_k.reshape(1, ED), bb_k.reshape(1, ED)
    b_p2, g_o2, bb_o2 = b_p.reshape(1, IN), g_o.reshape(1, IN), bb_o.reshape(1, IN)

    full = lambda shape: pl.BlockSpec(shape, lambda *_: tuple(0 for _ in shape))

    nsb = S // SB
    c, q_, v_, topk_idx = pl.pallas_call(
        _proj_kernel,
        grid=(nsb,),
        in_specs=[
            pl.BlockSpec((SB, IN), lambda i: (i, 0)),
            full((IN, C)), full((1, C)),
            full((IN, ED)), full((1, ED)), full((1, ED)), full((1, ED)),
            full((IN, ED)), full((1, ED)), full((1, ED)), full((1, ED)),
        ],
        out_specs=[
            pl.BlockSpec((SB, C), lambda i: (i, 0)),
            pl.BlockSpec((SB, ED), lambda i: (i, 0)),
            pl.BlockSpec((SB, ED), lambda i: (i, 0)),
            full((K, C)),
        ],
        out_shape=[
            jax.ShapeDtypeStruct((S, C), f32),
            jax.ShapeDtypeStruct((S, ED), bf16),
            jax.ShapeDtypeStruct((S, ED), bf16),
            jax.ShapeDtypeStruct((K, C), jnp.int32),
        ],
        scratch_shapes=[pltpu.VMEM((S, C), f32)],
    )(x, W_ih, b_ih2, W_q, b_q2, g_q2, bb_q2, W_v, b_v2, g_v2, bb_v2)

    idx_flat = jnp.pad(topk_idx, ((0, 0), (0, CPAD - C))).reshape(BPAD)
    cf = _sc_gather(x, idx_flat)

    k_ = pl.pallas_call(
        _kproj_kernel,
        grid=(K,),
        in_specs=[
            pl.BlockSpec((CPAD, IN), lambda j: (j, 0)),
            pl.BlockSpec((IN, ED), lambda j: (j, 0)),
            full((1, ED)), full((1, ED)), full((1, ED)),
        ],
        out_specs=pl.BlockSpec((H, C, D), lambda j: (0, 0, 0)),
        out_shape=jax.ShapeDtypeStruct((H, C, D), bf16),
        scratch_shapes=[pltpu.VMEM((CPAD, ED), f32)],
    )(cf, W_k, b_k2, g_k2, bb_k2)

    attn, values = pl.pallas_call(
        _attn_kernel,
        grid=(H2,),
        in_specs=[
            pl.BlockSpec((S, HB * D), lambda h: (0, h)),
            pl.BlockSpec((HB, C, D), lambda h: (h, 0, 0)),
            pl.BlockSpec((S, HB * D), lambda h: (0, h)),
        ],
        out_specs=[
            pl.BlockSpec((HB, S, C), lambda h: (h, 0, 0)),
            pl.BlockSpec((HB, C, D), lambda h: (h, 0, 0)),
        ],
        out_shape=[
            jax.ShapeDtypeStruct((H, S, C), f32),
            jax.ShapeDtypeStruct((H, C, D), f32),
        ],
    )(q_, k_, v_)

    o = pl.pallas_call(
        _out_kernel,
        out_shape=jax.ShapeDtypeStruct((C, IN), f32),
    )(values, W_p, b_p2, g_o2, bb_o2)

    return (o, c, attn, topk_idx)

# --- scband reference (transcript-rebuilt; emitter-appended) ---
"""Pipeline reference for scband-topk-cfmulti-head-attention-66803921322197 (READ-ONLY COPY).

The authoritative reference and input builder live on the scoring server;
editing this copy changes nothing except your own understanding.
"""

import jax, jax.numpy as jnp
import numpy as np
import math

S = 4096   # seq_length
IN = 1024  # in_size
H = 16     # num_heads
D = 64     # head_dim
ED = H * D # embed_dim = 1024
C = 100    # num_classes
K = 8      # topk

def _ln(x, g, b, eps=1e-5):
    m = jnp.mean(x, axis=-1, keepdims=True)
    v = jnp.var(x, axis=-1, keepdims=True)
    return (x - m) / jnp.sqrt(v + eps) * g + b

def setup_inputs(seed: int = 0) -> dict:
    key = jax.random.key(seed)
    ks = jax.random.split(key, 8)
    def kaiming(k, shape, fan_in):
        return jax.random.normal(k, shape, dtype=jnp.float32) * np.sqrt(2.0 / fan_in)
    return {
        "x":    jax.random.normal(ks[0], (S, IN), dtype=jnp.float32),
        # instance_head: Linear(in_size, classes)
        "W_ih": kaiming(ks[1], (IN, C), IN), "b_ih": jnp.zeros((C,), jnp.float32),
        # key_o: Linear(topk*in_size, embed_dim) + LayerNorm
        "W_k": kaiming(ks[2], (K * IN, ED), K * IN), "b_k": jnp.zeros((ED,), jnp.float32),
        "g_k": jnp.ones((ED,), jnp.float32), "bb_k": jnp.zeros((ED,), jnp.float32),
        # query_o: Linear(in_size, embed_dim) + LayerNorm
        "W_q": kaiming(ks[3], (IN, ED), IN), "b_q": jnp.zeros((ED,), jnp.float32),
        "g_q": jnp.ones((ED,), jnp.float32), "bb_q": jnp.zeros((ED,), jnp.float32),
        # value_o: Linear(in_size, embed_dim) + LayerNorm
        "W_v": kaiming(ks[4], (IN, ED), IN), "b_v": jnp.zeros((ED,), jnp.float32),
        "g_v": jnp.ones((ED,), jnp.float32), "bb_v": jnp.zeros((ED,), jnp.float32),
        # projection_out: Linear(embed_dim, in_size) (dropout=eval identity)
        "W_p": kaiming(ks[5], (ED, IN), ED), "b_p": jnp.zeros((IN,), jnp.float32),
        # norm: LayerNorm(in_size)
        "g_o": jnp.ones((IN,), jnp.float32), "bb_o": jnp.zeros((IN,), jnp.float32),
    }

def reference(x, W_ih, b_ih, W_k, b_k, g_k, bb_k, W_q, b_q, g_q, bb_q,
              W_v, b_v, g_v, bb_v, W_p, b_p, g_o, bb_o):
    # c = instance_head(x)  -> [S, C]
    c = x @ W_ih + b_ih
    # torch.topk(c, K, dim=0) -> indices [K, C]
    _, idxT = jax.lax.top_k(c.T, K)        # [C, K]
    topk_idx = idxT.T                       # [K, C]
    # critical_features_from == 'original'
    cf = x[topk_idx]                        # gather -> [K, C, IN]
    cf = jnp.transpose(cf, (1, 0, 2)).reshape(C, K * IN)
    k_ = _ln(cf @ W_k + b_k, g_k, bb_k).reshape(C, H, D)
    q_ = _ln(x @ W_q + b_q, g_q, bb_q).reshape(S, H, D)
    v_ = _ln(x @ W_v + b_v, g_v, bb_v).reshape(S, H, D)
    q_ = jnp.transpose(q_, (1, 0, 2))       # [H, S, D]
    k_ = jnp.transpose(k_, (1, 0, 2))       # [H, C, D]
    v_ = jnp.transpose(v_, (1, 0, 2))       # [H, S, D]
    logits = jnp.einsum('hsd,hcd->hsc', q_, k_) / math.sqrt(D)
    attn = jax.nn.softmax(logits, axis=-1)  # [H, S, C]
    # values = attention.transpose(-2,-1) @ v -> [H, C, D]
    values = jnp.einsum('hsc,hsd->hcd', attn, v_)
    values = jnp.transpose(values, (1, 0, 2)).reshape(C, ED)
    o = values @ W_p + b_p                  # projection_out (dropout identity)
    o = _ln(o, g_o, bb_o)                   # [C, IN]
    return (o, c, attn, topk_idx)

if __name__ == "__main__":
    import jax
    _d = setup_inputs()
    print(jax.jit(kernel)(*tuple(_d.values())))

</pallas_src>

<mosaic_0001>
#map = affine_map<(d0, d1) -> (0, 0)>
#map1 = affine_map<(d0, d1) -> (0)>
module attributes {stable_mosaic.version = 14 : i64} {
  func.func @_sc_gather_body(%arg0: i32, %arg1: i32, %arg2: memref<4096x1024xf32, #tpu.memory_space<hbm>>, %arg3: memref<1024xi32, #tpu.memory_space<hbm>>, %arg4: memref<1024x1024xf32, #tpu.memory_space<hbm>>, %arg5: memref<32xi32, #tpu.memory_space<vmem>>, %arg6: memref<32x1024xf32, #tpu.memory_space<vmem>>, %arg7: memref<!tpu.dma_semaphore, #tpu.memory_space<semaphore_mem>>) attributes {dimension_semantics = [#tpu.dimension_semantics<core_parallel>, #tpu.dimension_semantics<subcore_parallel>], iteration_bounds = array<i64: 2, 16>, scalar_prefetch = 0 : i64, scratch_operands = 3 : i64, tpu.core_type = #tpu.core_type<sc_vector_subcore>, window_params = [{transform_indices = #map}, {transform_indices = #map1}, {transform_indices = #map}]} {
    %mul3A = arith.constant 2 : i32
    %mul3A_0 = arith.muli %arg1, %mul3A : i32
    %add3A = arith.addi %mul3A_0, %arg0 : i32
    %mul3A_1 = arith.constant 32 : i32
    %mul3A_2 = arith.muli %add3A, %mul3A_1 : i32
    "tpu.region"() ({
      %run_scoped3A = tpu.sem_alloc : memref<!tpu.dma_semaphore, #tpu.memory_space<semaphore_mem>>
      %dma_start3A_7 = tpu.memref_slice %arg3[%mul3A_2] : memref<1024xi32, #tpu.memory_space<hbm>> -> memref<32xi32, #tpu.memory_space<hbm>>
      %dma_start3A_8 = tpu.memref_slice %arg3[%mul3A_2] : memref<1024xi32, #tpu.memory_space<hbm>> -> memref<32xi32, #tpu.memory_space<hbm>>
      tpu.enqueue_dma source(%dma_start3A_8 : memref<32xi32, #tpu.memory_space<hbm>>) target(%arg5 : memref<32xi32, #tpu.memory_space<vmem>>) target_semaphore(%run_scoped3A : memref<!tpu.dma_semaphore, #tpu.memory_space<semaphore_mem>>)
      %dma_wait3A_9 = tpu.memref_slice %arg3[%mul3A_2] : memref<1024xi32, #tpu.memory_space<hbm>> -> memref<32xi32, #tpu.memory_space<hbm>>
      %dma_wait3A_10 = tpu.memref_slice %arg3[%mul3A_2] : memref<1024xi32, #tpu.memory_space<hbm>> -> memref<32xi32, #tpu.memory_space<hbm>>
      tpu.wait_dma2 semaphore(%run_scoped3A : memref<!tpu.dma_semaphore, #tpu.memory_space<semaphore_mem>>) src(%dma_wait3A_10 : memref<32xi32, #tpu.memory_space<hbm>>) dst(%arg5 : memref<32xi32, #tpu.memory_space<vmem>>)
      tpu.yield
    }) : () -> ()
    %dma_start3A = arith.constant 0 : i32
    %dma_start3A_3 = arith.constant 0 : i32
    %dma_start3A_4 = tpu.memref_slice %arg2[%dma_start3A, %dma_start3A_3] : memref<4096x1024xf32, #tpu.memory_space<hbm>> -> memref<4096x1024xf32, #tpu.memory_space<hbm>>
    tpu.enqueue_indirect_dma source(%dma_start3A_4 : memref<4096x1024xf32, #tpu.memory_space<hbm>>) target(%arg6 : memref<32x1024xf32, #tpu.memory_space<vmem>>) offsets(%arg5 : memref<32xi32, #tpu.memory_space<vmem>>) semaphore(%arg7 : memref<!tpu.dma_semaphore, #tpu.memory_space<semaphore_mem>>)
    %dma_wait3A = arith.constant 0 : i32
    %dma_wait3A_5 = arith.constant 0 : i32
    %dma_wait3A_6 = tpu.memref_slice %arg2[%dma_wait3A, %dma_wait3A_5] : memref<4096x1024xf32, #tpu.memory_space<hbm>> -> memref<4096x1024xf32, #tpu.memory_space<hbm>>
    tpu.wait_indirect_dma semaphore(%arg7 : memref<!tpu.dma_semaphore, #tpu.memory_space<semaphore_mem>>) src(%dma_wait3A_6 : memref<4096x1024xf32, #tpu.memory_space<hbm>>) dst(%arg6 : memref<32x1024xf32, #tpu.memory_space<vmem>>)
    "tpu.region"() ({
      %run_scoped3A = tpu.sem_alloc : memref<!tpu.dma_semaphore, #tpu.memory_space<semaphore_mem>>
      %dma_start3A_7 = arith.constant 0 : i32
      %dma_start3A_8 = tpu.memref_slice %arg4[%mul3A_2, %dma_start3A_7] : memref<1024x1024xf32, #tpu.memory_space<hbm>> -> memref<32x1024xf32, #tpu.memory_space<hbm>>
      %dma_start3A_9 = arith.constant 0 : i32
      %dma_start3A_10 = tpu.memref_slice %arg4[%mul3A_2, %dma_start3A_9] : memref<1024x1024xf32, #tpu.memory_space<hbm>> -> memref<32x1024xf32, #tpu.memory_space<hbm>>
      tpu.enqueue_dma source(%arg6 : memref<32x1024xf32, #tpu.memory_space<vmem>>) target(%dma_start3A_10 : memref<32x1024xf32, #tpu.memory_space<hbm>>) target_semaphore(%run_scoped3A : memref<!tpu.dma_semaphore, #tpu.memory_space<semaphore_mem>>)
      %dma_wait3A_11 = arith.constant 0 : i32
      %dma_wait3A_12 = tpu.memref_slice %arg4[%mul3A_2, %dma_wait3A_11] : memref<1024x1024xf32, #tpu.memory_space<hbm>> -> memref<32x1024xf32, #tpu.memory_space<hbm>>
      %dma_wait3A_13 = arith.constant 0 : i32
      %dma_wait3A_14 = tpu.memref_slice %arg4[%mul3A_2, %dma_wait3A_13] : memref<1024x1024xf32, #tpu.memory_space<hbm>> -> memref<32x1024xf32, #tpu.memory_space<hbm>>
      tpu.wait_dma2 semaphore(%run_scoped3A : memref<!tpu.dma_semaphore, #tpu.memory_space<semaphore_mem>>) src(%arg6 : memref<32x1024xf32, #tpu.memory_space<vmem>>) dst(%dma_wait3A_14 : memref<32x1024xf32, #tpu.memory_space<hbm>>)
      tpu.yield
    }) : () -> ()
    return
  }
}

module attributes {stable_mosaic.version = 14 : i64} {
  func.func @_kproj_kernel(%arg0: i32, %arg1: memref<128x1024xf32, #tpu.memory_space<vmem>>, %arg2: memref<1024x1024xf32, #tpu.memory_space<vmem>>, %arg3: memref<1x1024xf32, #tpu.memory_space<vmem>>, %arg4: memref<1x1024xf32, #tpu.memory_space<vmem>>, %arg5: memref<1x1024xf32, #tpu.memory_space<vmem>>, %arg6: memref<16x100x64xbf16, #tpu.memory_space<vmem>>, %arg7: memref<128x1024xf32, #tpu.memory_space<vmem>>) attributes {dimension_semantics = [#tpu.dimension_semantics<arbitrary>], iteration_bounds = array<i64: 8>, scalar_prefetch = 0 : i64, scratch_operands = 1 : i64, tpu.core_type = #tpu.core_type<tc>, window_params = [{transform_indices = @transform_0, window_bounds = array<i64: 128, 1024>}, {transform_indices = @transform_1, window_bounds = array<i64: 1024, 1024>}, {pipeline_mode = #tpu.pipeline_mode<synchronous>, transform_indices = @transform_2, window_bounds = array<i64: 1, 1024>}, {pipeline_mode = #tpu.pipeline_mode<synchronous>, transform_indices = @transform_3, window_bounds = array<i64: 1, 1024>}, {pipeline_mode = #tpu.pipeline_mode<synchronous>, transform_indices = @transform_4, window_bounds = array<i64: 1, 1024>}, {pipeline_mode = #tpu.pipeline_mode<synchronous>, transform_indices = @transform_5, window_bounds = array<i64: 16, 100, 64>}]} {
    %get3A = arith.constant 0 : index
    %get3A_0 = arith.constant 0 : index
    %get3A_1 = vector.load %arg1[%get3A, %get3A_0] : memref<128x1024xf32, #tpu.memory_space<vmem>>, vector<128x1024xf32>
    %get3A_2 = arith.constant 0 : index
    %get3A_3 = arith.constant 0 : index
    %get3A_4 = vector.load %arg2[%get3A_2, %get3A_3] : memref<1024x1024xf32, #tpu.memory_space<vmem>>, vector<1024x1024xf32>
    %convert_element_type3A = arith.truncf %get3A_1 : vector<128x1024xf32> to vector<128x1024xbf16>
    %convert_element_type3A_5 = arith.truncf %get3A_4 : vector<1024x1024xf32> to vector<1024x1024xbf16>
    %dot_general3A = arith.constant dense<0.000000e+00> : vector<128x1024xf32>
    %dot_general3A_6 = tpu.matmul %convert_element_type3A, %convert_element_type3A_5, %dot_general3A {dimension_numbers = #tpu.dot_dimension_numbers<[1], [0], [0], [1], [0, 0, 1, 1], [], []>, transpose_lhs_hint = false} : vector<128x1024xbf16>, vector<1024x1024xbf16>, vector<128x1024xf32> -> vector<128x1024xf32>
    %eq3A = arith.constant 0 : i32
    %eq3A_7 = arith.cmpi eq, %arg0, %eq3A : i32
    %convert_element_type3A_8 = arith.extui %eq3A_7 : i1 to i32
    %cond3A = arith.constant 0 : i32
    %cond3A_9 = arith.cmpi ne, %convert_element_type3A_8, %cond3A : i32
    scf.if %cond3A_9 {
      %swap3A = arith.constant 0 : index
      %swap3A_19 = arith.constant 0 : index
      %swap3A_20 = vector.load %arg7[%swap3A, %swap3A_19] : memref<128x1024xf32, #tpu.memory_space<vmem>>, vector<128x1024xf32>
      tpu.vector_store %arg7[%swap3A, %swap3A_19], %dot_general3A_6 {strides = array<i32>} : memref<128x1024xf32, #tpu.memory_space<vmem>>, vector<128x1024xf32>,
    } else {
    }
    %gt3A = arith.constant 0 : i32
    %gt3A_10 = arith.cmpi sgt, %arg0, %gt3A : i32
    %convert_element_type3A_11 = arith.extui %gt3A_10 : i1 to i32
    %cond3A_12 = arith.constant 0 : i32
    %cond3A_13 = arith.cmpi ne, %convert_element_type3A_11, %cond3A_12 : i32
    scf.if %cond3A_13 {
      %get3A_19 = arith.constant 0 : index
      %get3A_20 = arith.constant 0 : index
      %get3A_21 = vector.load %arg7[%get3A_19, %get3A_20] : memref<128x1024xf32, #tpu.memory_space<vmem>>, vector<128x1024xf32>
      %add3A = arith.addf %get3A_21, %dot_general3A_6 : vector<128x1024xf32>
      %swap3A = arith.constant 0 : index
      %swap3A_22 = arith.constant 0 : index
      %swap3A_23 = vector.load %arg7[%swap3A, %swap3A_22] : memref<128x1024xf32, #tpu.memory_space<vmem>>, vector<128x1024xf32>
      tpu.vector_store %arg7[%swap3A, %swap3A_22], %add3A {strides = array<i32>} : memref<128x1024xf32, #tpu.memory_space<vmem>>, vector<128x1024xf32>,
    } else {
    }
    %eq3A_14 = arith.constant 7 : i32
    %eq3A_15 = arith.cmpi eq, %arg0, %eq3A_14 : i32
    %convert_element_type3A_16 = arith.extui %eq3A_15 : i1 to i32
    %cond3A_17 = arith.constant 0 : i32
    %cond3A_18 = arith.cmpi ne, %convert_element_type3A_16, %cond3A_17 : i32
    scf.if %cond3A_18 {
      %get3A_19 = arith.constant 0 : index
      %get3A_20 = arith.constant 0 : index
      %get3A_21 = vector.load %arg7[%get3A_19, %get3A_20] : memref<128x1024xf32, #tpu.memory_space<vmem>>, vector<100x1024xf32>
      %get3A_22 = arith.constant 0 : index
      %get3A_23 = arith.constant 0 : index
      %get3A_24 = vector.load %arg3[%get3A_22, %get3A_23] : memref<1x1024xf32, #tpu.memory_space<vmem>>, vector<1x1024xf32>
      %add3A = vector.broadcast %get3A_24 : vector<1x1024xf32> to vector<100x1024xf32>
      %add3A_25 = arith.addf %get3A_21, %add3A : vector<100x1024xf32>
      %get3A_26 = arith.constant 0 : index
      %get3A_27 = arith.constant 0 : index
      %get3A_28 = vector.load %arg4[%get3A_26, %get3A_27] : memref<1x1024xf32, #tpu.memory_space<vmem>>, vector<1x1024xf32>
      %get3A_29 = arith.constant 0 : index
      %get3A_30 = arith.constant 0 : index
      %get3A_31 = vector.load %arg5[%get3A_29, %get3A_30] : memref<1x1024xf32, #tpu.memory_space<vmem>>, vector<1x1024xf32>
      %reduce_sum3A = arith.constant dense<0.000000e+00> : vector<100xf32>
      %reduce_sum3A_32 = vector.multi_reduction <add>, %add3A_25, %reduce_sum3A [1] : vector<100x1024xf32> to vector<100xf32>
      %broadcast_in_dim3A = vector.shape_cast %reduce_sum3A_32 : vector<100xf32> to vector<100x1xf32>
      %div3A = arith.constant 1.024000e+03 : f32
      %div3A_33 = vector.broadcast %div3A : f32 to vector<100x1xf32>
      %div3A_34 = arith.divf %broadcast_in_dim3A, %div3A_33 : vector<100x1xf32>
      %jit3A = arith.constant 0 : i32
      %reduce_sum3A_35 = arith.constant dense<0.000000e+00> : vector<100xf32>
      %reduce_sum3A_36 = vector.multi_reduction <add>, %add3A_25, %reduce_sum3A_35 [1] : vector<100x1024xf32> to vector<100xf32>
      %broadcast_in_dim3A_37 = vector.shape_cast %reduce_sum3A_36 : vector<100xf32> to vector<100x1xf32>
      %div3A_38 = arith.constant 1.024000e+03 : f32
      %div3A_39 = vector.broadcast %div3A_38 : f32 to vector<100x1xf32>
      %div3A_40 = arith.divf %broadcast_in_dim3A_37, %div3A_39 : vector<100x1xf32>
      %sub3A = vector.broadcast %div3A_40 : vector<100x1xf32> to vector<100x1024xf32>
      %sub3A_41 = arith.subf %add3A_25, %sub3A : vector<100x1024xf32>
      %square3A = arith.mulf %sub3A_41, %sub3A_41 : vector<100x1024xf32>
      %convert_element_type3A_42 = arith.sitofp %jit3A : i32 to f32
      %sub3A_43 = arith.constant 1.024000e+03 : f32
      %sub3A_44 = arith.subf %sub3A_43, %convert_element_type3A_42 : f32
      %reduce_sum3A_45 = arith.constant dense<0.000000e+00> : vector<100xf32>
      %reduce_sum3A_46 = vector.multi_reduction <add>, %square3A, %reduce_sum3A_45 [1] : vector<100x1024xf32> to vector<100xf32>
      %broadcast_in_dim3A_47 = vector.shape_cast %reduce_sum3A_46 : vector<100xf32> to vector<100x1xf32>
      %div3A_48 = vector.broadcast %sub3A_44 : f32 to vector<100x1xf32>
      %div3A_49 = arith.divf %broadcast_in_dim3A_47, %div3A_48 : vector<100x1xf32>
      %gt3A_50 = arith.constant 0.000000e+00 : f32
      %gt3A_51 = arith.cmpf ogt, %sub3A_44, %gt3A_50 : f32
      %jit3A_52 = arith.constant 0x7FC00000 : f32
      %broadcast_in_dim3A_53 = vector.broadcast %jit3A_52 : f32 to vector<100x1xf32>
      %select_n3A = arith.select %gt3A_51, %div3A_49, %broadcast_in_dim3A_53 : vector<100x1xf32>
      %sub3A_54 = vector.broadcast %div3A_34 : vector<100x1xf32> to vector<100x1024xf32>
      %sub3A_55 = arith.subf %add3A_25, %sub3A_54 : vector<100x1024xf32>
      %add3A_56 = arith.constant 9.99999974E-6 : f32
      %add3A_57 = vector.broadcast %add3A_56 : f32 to vector<100x1xf32>
      %add3A_58 = arith.addf %select_n3A, %add3A_57 : vector<100x1xf32>
      %sqrt3A = math.sqrt %add3A_58 : vector<100x1xf32>
      %div3A_59 = vector.broadcast %sqrt3A : vector<100x1xf32> to vector<100x1024xf32>
      %div3A_60 = arith.divf %sub3A_55, %div3A_59 : vector<100x1024xf32>
      %mul3A = vector.broadcast %get3A_28 : vector<1x1024xf32> to vector<100x1024xf32>
      %mul3A_61 = arith.mulf %div3A_60, %mul3A : vector<100x1024xf32>
      %add3A_62 = vector.broadcast %get3A_31 : vector<1x1024xf32> to vector<100x1024xf32>
      %add3A_63 = arith.addf %mul3A_61, %add3A_62 : vector<100x1024xf32>
      %convert_element_type3A_64 = arith.truncf %add3A_63 : vector<100x1024xf32> to vector<100x1024xbf16>
      %reshape3A = vector.shape_cast %convert_element_type3A_64 : vector<100x1024xbf16> to vector<100x16x64xbf16>
      %transpose3A = tpu.transpose %reshape3A, [1, 0, 2] : vector<100x16x64xbf16> -> vector<16x100x64xbf16>
      %swap3A = arith.constant 0 : index
      %swap3A_65 = arith.constant 0 : index
      %swap3A_66 = arith.constant 0 : index
      %swap3A_67 = vector.load %arg6[%swap3A, %swap3A_65, %swap3A_66] : memref<16x100x64xbf16, #tpu.memory_space<vmem>>, vector<16x100x64xbf16>
      tpu.vector_store %arg6[%swap3A, %swap3A_65, %swap3A_66], %transpose3A {strides = array<i32>} : memref<16x100x64xbf16, #tpu.memory_space<vmem>>, vector<16x100x64xbf16>,
    } else {
    }
    return
  }
  func.func @transform_0(%arg0: i32) -> (i32, i32) {
    %c0_i32 = arith.constant 0 : i32
    %c0_i32_0 = arith.constant 0 : i32
    return %arg0, %c0_i32 : i32, i32
  }
  func.func @transform_1(%arg0: i32) -> (i32, i32) {
    %c0_i32 = arith.constant 0 : i32
    %c0_i32_0 = arith.constant 0 : i32
    return %arg0, %c0_i32 : i32, i32
  }
  func.func @transform_2(%arg0: i32) -> (i32, i32) {
    %c0_i32 = arith.constant 0 : i32
    %c0_i32_0 = arith.constant 0 : i32
    %c0_i32_1 = arith.constant 0 : i32
    return %c0_i32, %c0_i32_0 : i32, i32
  }
  func.func @transform_3(%arg0: i32) -> (i32, i32) {
    %c0_i32 = arith.constant 0 : i32
    %c0_i32_0 = arith.constant 0 : i32
    %c0_i32_1 = arith.constant 0 : i32
    return %c0_i32, %c0_i32_0 : i32, i32
  }
  func.func @transform_4(%arg0: i32) -> (i32, i32) {
    %c0_i32 = arith.constant 0 : i32
    %c0_i32_0 = arith.constant 0 : i32
    %c0_i32_1 = arith.constant 0 : i32
    return %c0_i32, %c0_i32_0 : i32, i32
  }
  func.func @transform_5(%arg0: i32) -> (i32, i32, i32) {
    %c0_i32 = arith.constant 0 : i32
    %c0_i32_0 = arith.constant 0 : i32
    %c0_i32_1 = arith.constant 0 : i32
    %c0_i32_2 = arith.constant 0 : i32
    return %c0_i32, %c0_i32_0, %c0_i32_1 : i32, i32, i32
  }
}

module attributes {stable_mosaic.version = 14 : i64} {
  func.func @_attn_kernel(%arg0: i32, %arg1: memref<4096x128xbf16, #tpu.memory_space<vmem>>, %arg2: memref<2x100x64xbf16, #tpu.memory_space<vmem>>, %arg3: memref<4096x128xbf16, #tpu.memory_space<vmem>>, %arg4: memref<2x4096x100xf32, #tpu.memory_space<vmem>>, %arg5: memref<2x100x64xf32, #tpu.memory_space<vmem>>) attributes {dimension_semantics = [#tpu.dimension_semantics<arbitrary>], iteration_bounds = array<i64: 8>, scalar_prefetch = 0 : i64, scratch_operands = 0 : i64, tpu.core_type = #tpu.core_type<tc>, window_params = [{transform_indices = @transform_0, window_bounds = array<i64: 4096, 128>}, {transform_indices = @transform_1, window_bounds = array<i64: 2, 100, 64>}, {transform_indices = @transform_2, window_bounds = array<i64: 4096, 128>}, {transform_indices = @transform_3, window_bounds = array<i64: 2, 4096, 100>}, {transform_indices = @transform_4, window_bounds = array<i64: 2, 100, 64>}]} {
    %get3A = arith.constant 0 : index
    %get3A_0 = arith.constant 0 : index
    %get3A_1 = vector.load %arg1[%get3A, %get3A_0] : memref<4096x128xbf16, #tpu.memory_space<vmem>>, vector<4096x128xbf16>
    %get3A_2 = arith.constant 0 : index
    %get3A_3 = arith.constant 0 : index
    %get3A_4 = vector.load %arg3[%get3A_2, %get3A_3] : memref<4096x128xbf16, #tpu.memory_space<vmem>>, vector<4096x128xbf16>
    %slice3A = vector.extract_strided_slice %get3A_1 {offsets = [0, 0], sizes = [4096, 64], strides = [1, 1]} : vector<4096x128xbf16> to vector<4096x64xbf16>
    %slice3A_5 = vector.extract_strided_slice %get3A_4 {offsets = [0, 0], sizes = [4096, 64], strides = [1, 1]} : vector<4096x128xbf16> to vector<4096x64xbf16>
    %get3A_6 = arith.constant 0 : index
    %get3A_7 = arith.constant 0 : index
    %get3A_8 = arith.constant 0 : index
    %get3A_9 = vector.load %arg2[%get3A_6, %get3A_7, %get3A_8] : memref<2x100x64xbf16, #tpu.memory_space<vmem>>, vector<1x100x64xbf16>
    %get3A_10 = vector.shape_cast %get3A_9 : vector<1x100x64xbf16> to vector<100x64xbf16>
    %dot_general3A = arith.constant dense<0.000000e+00> : vector<4096x100xf32>
    %dot_general3A_11 = tpu.matmul %slice3A, %get3A_10, %dot_general3A {dimension_numbers = #tpu.dot_dimension_numbers<[1], [1], [0], [0], [0, 0, 1, 0], [], []>, transpose_lhs_hint = false} : vector<4096x64xbf16>, vector<100x64xbf16>, vector<4096x100xf32> -> vector<4096x100xf32>
    %mul3A = arith.constant 1.250000e-01 : f32
    %mul3A_12 = vector.broadcast %mul3A : f32 to vector<4096x100xf32>
    %mul3A_13 = arith.mulf %dot_general3A_11, %mul3A_12 : vector<4096x100xf32>
    %exp3A = math.exp %mul3A_13 : vector<4096x100xf32>
    %reduce_sum3A = arith.constant dense<0.000000e+00> : vector<4096xf32>
    %reduce_sum3A_14 = vector.multi_reduction <add>, %exp3A, %reduce_sum3A [1] : vector<4096x100xf32> to vector<4096xf32>
    %broadcast_in_dim3A = vector.shape_cast %reduce_sum3A_14 : vector<4096xf32> to vector<4096x1xf32>
    %div3A = vector.broadcast %broadcast_in_dim3A : vector<4096x1xf32> to vector<4096x100xf32>
    %div3A_15 = arith.divf %exp3A, %div3A : vector<4096x100xf32>
    %swap3A = arith.constant 0 : index
    %swap3A_16 = arith.constant 0 : index
    %swap3A_17 = arith.constant 0 : index
    %swap3A_18 = vector.load %arg4[%swap3A, %swap3A_16, %swap3A_17] : memref<2x4096x100xf32, #tpu.memory_space<vmem>>, vector<1x4096x100xf32>
    %swap3A_19 = vector.shape_cast %swap3A_18 : vector<1x4096x100xf32> to vector<4096x100xf32>
    %swap3A_20 = vector.shape_cast %div3A_15 : vector<4096x100xf32> to vector<1x4096x100xf32>
    tpu.vector_store %arg4[%swap3A, %swap3A_16, %swap3A_17], %swap3A_20 {strides = array<i32>} : memref<2x4096x100xf32, #tpu.memory_space<vmem>>, vector<1x4096x100xf32>,
    %convert_element_type3A = arith.truncf %div3A_15 : vector<4096x100xf32> to vector<4096x100xbf16>
    %dot_general3A_21 = arith.constant dense<0.000000e+00> : vector<100x64xf32>
    %dot_general3A_22 = tpu.matmul %convert_element_type3A, %slice3A_5, %dot_general3A_21 {dimension_numbers = #tpu.dot_dimension_numbers<[0], [0], [1], [1], [0, 1, 1, 1], [], []>, transpose_lhs_hint = false} : vector<4096x100xbf16>, vector<4096x64xbf16>, vector<100x64xf32> -> vector<100x64xf32>
    %swap3A_23 = arith.constant 0 : index
    %swap3A_24 = arith.constant 0 : index
    %swap3A_25 = arith.constant 0 : index
    %swap3A_26 = vector.load %arg5[%swap3A_23, %swap3A_24, %swap3A_25] : memref<2x100x64xf32, #tpu.memory_space<vmem>>, vector<1x100x64xf32>
    %swap3A_27 = vector.shape_cast %swap3A_26 : vector<1x100x64xf32> to vector<100x64xf32>
    %swap3A_28 = vector.shape_cast %dot_general3A_22 : vector<100x64xf32> to vector<1x100x64xf32>
    tpu.vector_store %arg5[%swap3A_23, %swap3A_24, %swap3A_25], %swap3A_28 {strides = array<i32>} : memref<2x100x64xf32, #tpu.memory_space<vmem>>, vector<1x100x64xf32>,
    %slice3A_29 = vector.extract_strided_slice %get3A_1 {offsets = [0, 64], sizes = [4096, 64], strides = [1, 1]} : vector<4096x128xbf16> to vector<4096x64xbf16>
    %slice3A_30 = vector.extract_strided_slice %get3A_4 {offsets = [0, 64], sizes = [4096, 64], strides = [1, 1]} : vector<4096x128xbf16> to vector<4096x64xbf16>
    %get3A_31 = arith.constant 1 : index
    %get3A_32 = arith.constant 0 : index
    %get3A_33 = arith.constant 0 : index
    %get3A_34 = vector.load %arg2[%get3A_31, %get3A_32, %get3A_33] : memref<2x100x64xbf16, #tpu.memory_space<vmem>>, vector<1x100x64xbf16>
    %get3A_35 = vector.shape_cast %get3A_34 : vector<1x100x64xbf16> to vector<100x64xbf16>
    %dot_general3A_36 = arith.constant dense<0.000000e+00> : vector<4096x100xf32>
    %dot_general3A_37 = tpu.matmul %slice3A_29, %get3A_35, %dot_general3A_36 {dimension_numbers = #tpu.dot_dimension_numbers<[1], [1], [0], [0], [0, 0, 1, 0], [], []>, transpose_lhs_hint = false} : vector<4096x64xbf16>, vector<100x64xbf16>, vector<4096x100xf32> -> vector<4096x100xf32>
    %mul3A_38 = arith.constant 1.250000e-01 : f32
    %mul3A_39 = vector.broadcast %mul3A_38 : f32 to vector<4096x100xf32>
    %mul3A_40 = arith.mulf %dot_general3A_37, %mul3A_39 : vector<4096x100xf32>
    %exp3A_41 = math.exp %mul3A_40 : vector<4096x100xf32>
    %reduce_sum3A_42 = arith.constant dense<0.000000e+00> : vector<4096xf32>
    %reduce_sum3A_43 = vector.multi_reduction <add>, %exp3A_41, %reduce_sum3A_42 [1] : vector<4096x100xf32> to vector<4096xf32>
    %broadcast_in_dim3A_44 = vector.shape_cast %reduce_sum3A_43 : vector<4096xf32> to vector<4096x1xf32>
    %div3A_45 = vector.broadcast %broadcast_in_dim3A_44 : vector<4096x1xf32> to vector<4096x100xf32>
    %div3A_46 = arith.divf %exp3A_41, %div3A_45 : vector<4096x100xf32>
    %swap3A_47 = arith.constant 1 : index
    %swap3A_48 = arith.constant 0 : index
    %swap3A_49 = arith.constant 0 : index
    %swap3A_50 = vector.load %arg4[%swap3A_47, %swap3A_48, %swap3A_49] : memref<2x4096x100xf32, #tpu.memory_space<vmem>>, vector<1x4096x100xf32>
    %swap3A_51 = vector.shape_cast %swap3A_50 : vector<1x4096x100xf32> to vector<4096x100xf32>
    %swap3A_52 = vector.shape_cast %div3A_46 : vector<4096x100xf32> to vector<1x4096x100xf32>
    tpu.vector_store %arg4[%swap3A_47, %swap3A_48, %swap3A_49], %swap3A_52 {strides = array<i32>} : memref<2x4096x100xf32, #tpu.memory_space<vmem>>, vector<1x4096x100xf32>,
    %convert_element_type3A_53 = arith.truncf %div3A_46 : vector<4096x100xf32> to vector<4096x100xbf16>
    %dot_general3A_54 = arith.constant dense<0.000000e+00> : vector<100x64xf32>
    %dot_general3A_55 = tpu.matmul %convert_element_type3A_53, %slice3A_30, %dot_general3A_54 {dimension_numbers = #tpu.dot_dimension_numbers<[0], [0], [1], [1], [0, 1, 1, 1], [], []>, transpose_lhs_hint = false} : vector<4096x100xbf16>, vector<4096x64xbf16>, vector<100x64xf32> -> vector<100x64xf32>
    %swap3A_56 = arith.constant 1 : index
    %swap3A_57 = arith.constant 0 : index
    %swap3A_58 = arith.constant 0 : index
    %swap3A_59 = vector.load %arg5[%swap3A_56, %swap3A_57, %swap3A_58] : memref<2x100x64xf32, #tpu.memory_space<vmem>>, vector<1x100x64xf32>
    %swap3A_60 = vector.shape_cast %swap3A_59 : vector<1x100x64xf32> to vector<100x64xf32>
    %swap3A_61 = vector.shape_cast %dot_general3A_55 : vector<100x64xf32> to vector<1x100x64xf32>
    tpu.vector_store %arg5[%swap3A_56, %swap3A_57, %swap3A_58], %swap3A_61 {strides = array<i32>} : memref<2x100x64xf32, #tpu.memory_space<vmem>>, vector<1x100x64xf32>,
    return
  }
  func.func @transform_0(%arg0: i32) -> (i32, i32) {
    %c0_i32 = arith.constant 0 : i32
    %c0_i32_0 = arith.constant 0 : i32
    return %c0_i32, %arg0 : i32, i32
  }
  func.func @transform_1(%arg0: i32) -> (i32, i32, i32) {
    %c0_i32 = arith.constant 0 : i32
    %c0_i32_0 = arith.constant 0 : i32
    %c0_i32_1 = arith.constant 0 : i32
    return %arg0, %c0_i32, %c0_i32_0 : i32, i32, i32
  }
  func.func @transform_2(%arg0: i32) -> (i32, i32) {
    %c0_i32 = arith.constant 0 : i32
    %c0_i32_0 = arith.constant 0 : i32
    return %c0_i32, %arg0 : i32, i32
  }
  func.func @transform_3(%arg0: i32) -> (i32, i32, i32) {
    %c0_i32 = arith.constant 0 : i32
    %c0_i32_0 = arith.constant 0 : i32
    %c0_i32_1 = arith.constant 0 : i32
    return %arg0, %c0_i32, %c0_i32_0 : i32, i32, i32
  }
  func.func @transform_4(%arg0: i32) -> (i32, i32, i32) {
    %c0_i32 = arith.constant 0 : i32
    %c0_i32_0 = arith.constant 0 : i32
    %c0_i32_1 = arith.constant 0 : i32
    return %arg0, %c0_i32, %c0_i32_0 : i32, i32, i32
  }
}

module attributes {stable_mosaic.version = 14 : i64} {
  func.func @_proj_kernel(%arg0: i32, %arg1: memref<1024x1024xf32, #tpu.memory_space<vmem>>, %arg2: memref<1024x100xf32, #tpu.memory_space<vmem>>, %arg3: memref<1x100xf32, #tpu.memory_space<vmem>>, %arg4: memref<1024x1024xf32, #tpu.memory_space<vmem>>, %arg5: memref<1x1024xf32, #tpu.memory_space<vmem>>, %arg6: memref<1x1024xf32, #tpu.memory_space<vmem>>, %arg7: memref<1x1024xf32, #tpu.memory_space<vmem>>, %arg8: memref<1024x1024xf32, #tpu.memory_space<vmem>>, %arg9: memref<1x1024xf32, #tpu.memory_space<vmem>>, %arg10: memref<1x1024xf32, #tpu.memory_space<vmem>>, %arg11: memref<1x1024xf32, #tpu.memory_space<vmem>>, %arg12: memref<1024x100xf32, #tpu.memory_space<vmem>>, %arg13: memref<1024x1024xbf16, #tpu.memory_space<vmem>>, %arg14: memref<1024x1024xbf16, #tpu.memory_space<vmem>>, %arg15: memref<8x100xi32, #tpu.memory_space<vmem>>, %arg16: memref<4096x100xf32, #tpu.memory_space<vmem>>) attributes {dimension_semantics = [#tpu.dimension_semantics<arbitrary>], iteration_bounds = array<i64: 4>, scalar_prefetch = 0 : i64, scratch_operands = 1 : i64, tpu.core_type = #tpu.core_type<tc>, window_params = [{transform_indices = @transform_0, window_bounds = array<i64: 1024, 1024>}, {pipeline_mode = #tpu.pipeline_mode<synchronous>, transform_indices = @transform_1, window_bounds = array<i64: 1024, 100>}, {pipeline_mode = #tpu.pipeline_mode<synchronous>, transform_indices = @transform_2, window_bounds = array<i64: 1, 100>}, {pipeline_mode = #tpu.pipeline_mode<synchronous>, transform_indices = @transform_3, window_bounds = array<i64: 1024, 1024>}, {pipeline_mode = #tpu.pipeline_mode<synchronous>, transform_indices = @transform_4, window_bounds = array<i64: 1, 1024>}, {pipeline_mode = #tpu.pipeline_mode<synchronous>, transform_indices = @transform_5, window_bounds = array<i64: 1, 1024>}, {pipeline_mode = #tpu.pipeline_mode<synchronous>, transform_indices = @transform_6, window_bounds = array<i64: 1, 1024>}, {pipeline_mode = #tpu.pipeline_mode<synchronous>, transform_indices = @transform_7, window_bounds = array<i64: 1024, 1024>}, {pipeline_mode = #tpu.pipeline_mode<synchronous>, transform_indices = @transform_8, window_bounds = array<i64: 1, 1024>}, {pipeline_mode = #tpu.pipeline_mode<synchronous>, transform_indices = @transform_9, window_bounds = array<i64: 1, 1024>}, {pipeline_mode = #tpu.pipeline_mode<synchronous>, transform_indices = @transform_10, window_bounds = array<i64: 1, 1024>}, {transform_indices = @transform_11, window_bounds = array<i64: 1024, 100>}, {transform_indices = @transform_12, window_bounds = array<i64: 1024, 1024>}, {transform_indices = @transform_13, window_bounds = array<i64: 1024, 1024>}, {pipeline_mode = #tpu.pipeline_mode<synchronous>, transform_indices = @transform_14, window_bounds = array<i64: 8, 100>}]} {
    %get3A = arith.constant 0 : index
    %get3A_0 = arith.constant 0 : index
    %get3A_1 = vector.load %arg1[%get3A, %get3A_0] : memref<1024x1024xf32, #tpu.memory_space<vmem>>, vector<1024x1024xf32>
    %get3A_2 = arith.constant 0 : index
    %get3A_3 = arith.constant 0 : index
    %get3A_4 = vector.load %arg2[%get3A_2, %get3A_3] : memref<1024x100xf32, #tpu.memory_space<vmem>>, vector<1024x100xf32>
    %dot_general3A = arith.constant dense<0.000000e+00> : vector<1024x100xf32>
    %dot_general3A_5 = tpu.matmul %get3A_1, %get3A_4, %dot_general3A {dimension_numbers = #tpu.dot_dimension_numbers<[1], [0], [0], [1], [0, 0, 1, 1], [], []>, transpose_lhs_hint = false} : vector<1024x1024xf32>, vector<1024x100xf32>, vector<1024x100xf32> -> vector<1024x100xf32>
    %get3A_6 = arith.constant 0 : index
    %get3A_7 = arith.constant 0 : index
    %get3A_8 = vector.load %arg3[%get3A_6, %get3A_7] : memref<1x100xf32, #tpu.memory_space<vmem>>, vector<1x100xf32>
    %add3A = vector.broadcast %get3A_8 : vector<1x100xf32> to vector<1024x100xf32>
    %add3A_9 = arith.addf %dot_general3A_5, %add3A : vector<1024x100xf32>
    %swap3A = arith.constant 0 : index
    %swap3A_10 = arith.constant 0 : index
    %swap3A_11 = vector.load %arg12[%swap3A, %swap3A_10] : memref<1024x100xf32, #tpu.memory_space<vmem>>, vector<1024x100xf32>
    tpu.vector_store %arg12[%swap3A, %swap3A_10], %add3A_9 {strides = array<i32>} : memref<1024x100xf32, #tpu.memory_space<vmem>>, vector<1024x100xf32>,
    %mul3A = arith.constant 1024 : i32
    %mul3A_12 = arith.muli %arg0, %mul3A : i32
    %swap3A_13 = arith.index_cast %mul3A_12 : i32 to index
    %swap3A_14 = arith.constant 0 : index
    %swap3A_15 = vector.load %arg16[%swap3A_13, %swap3A_14] : memref<4096x100xf32, #tpu.memory_space<vmem>>, vector<1024x100xf32>
    tpu.vector_store %arg16[%swap3A_13, %swap3A_14], %add3A_9 {strides = array<i32>} : memref<4096x100xf32, #tpu.memory_space<vmem>>, vector<1024x100xf32>,
    %get3A_16 = arith.constant 0 : index
    %get3A_17 = arith.constant 0 : index
    %get3A_18 = vector.load %arg4[%get3A_16, %get3A_17] : memref<1024x1024xf32, #tpu.memory_space<vmem>>, vector<1024x1024xf32>
    %convert_element_type3A = arith.truncf %get3A_1 : vector<1024x1024xf32> to vector<1024x1024xbf16>
    %convert_element_type3A_19 = arith.truncf %get3A_18 : vector<1024x1024xf32> to vector<1024x1024xbf16>
    %dot_general3A_20 = arith.constant dense<0.000000e+00> : vector<1024x1024xf32>
    %dot_general3A_21 = tpu.matmul %convert_element_type3A, %convert_element_type3A_19, %dot_general3A_20 {dimension_numbers = #tpu.dot_dimension_numbers<[1], [0], [0], [1], [0, 0, 1, 1], [], []>, transpose_lhs_hint = false} : vector<1024x1024xbf16>, vector<1024x1024xbf16>, vector<1024x1024xf32> -> vector<1024x1024xf32>
    %get3A_22 = arith.constant 0 : index
    %get3A_23 = arith.constant 0 : index
    %get3A_24 = vector.load %arg5[%get3A_22, %get3A_23] : memref<1x1024xf32, #tpu.memory_space<vmem>>, vector<1x1024xf32>
    %add3A_25 = vector.broadcast %get3A_24 : vector<1x1024xf32> to vector<1024x1024xf32>
    %add3A_26 = arith.addf %dot_general3A_21, %add3A_25 : vector<1024x1024xf32>
    %get3A_27 = arith.constant 0 : index
    %get3A_28 = arith.constant 0 : index
    %get3A_29 = vector.load %arg6[%get3A_27, %get3A_28] : memref<1x1024xf32, #tpu.memory_space<vmem>>, vector<1x1024xf32>
    %get3A_30 = arith.constant 0 : index
    %get3A_31 = arith.constant 0 : index
    %get3A_32 = vector.load %arg7[%get3A_30, %get3A_31] : memref<1x1024xf32, #tpu.memory_space<vmem>>, vector<1x1024xf32>
    %reduce_sum3A = arith.constant dense<0.000000e+00> : vector<1024xf32>
    %reduce_sum3A_33 = vector.multi_reduction <add>, %add3A_26, %reduce_sum3A [1] : vector<1024x1024xf32> to vector<1024xf32>
    %broadcast_in_dim3A = vector.shape_cast %reduce_sum3A_33 : vector<1024xf32> to vector<1024x1xf32>
    %div3A = arith.constant 1.024000e+03 : f32
    %div3A_34 = vector.broadcast %div3A : f32 to vector<1024x1xf32>
    %div3A_35 = arith.divf %broadcast_in_dim3A, %div3A_34 : vector<1024x1xf32>
    %jit3A = arith.constant 0 : i32
    %reduce_sum3A_36 = arith.constant dense<0.000000e+00> : vector<1024xf32>
    %reduce_sum3A_37 = vector.multi_reduction <add>, %add3A_26, %reduce_sum3A_36 [1] : vector<1024x1024xf32> to vector<1024xf32>
    %broadcast_in_dim3A_38 = vector.shape_cast %reduce_sum3A_37 : vector<1024xf32> to vector<1024x1xf32>
    %div3A_39 = arith.constant 1.024000e+03 : f32
    %div3A_40 = vector.broadcast %div3A_39 : f32 to vector<1024x1xf32>
    %div3A_41 = arith.divf %broadcast_in_dim3A_38, %div3A_40 : vector<1024x1xf32>
    %sub3A = vector.broadcast %div3A_41 : vector<1024x1xf32> to vector<1024x1024xf32>
    %sub3A_42 = arith.subf %add3A_26, %sub3A : vector<1024x1024xf32>
    %square3A = arith.mulf %sub3A_42, %sub3A_42 : vector<1024x1024xf32>
    %convert_element_type3A_43 = arith.sitofp %jit3A : i32 to f32
    %sub3A_44 = arith.constant 1.024000e+03 : f32
    %sub3A_45 = arith.subf %sub3A_44, %convert_element_type3A_43 : f32
    %reduce_sum3A_46 = arith.constant dense<0.000000e+00> : vector<1024xf32>
    %reduce_sum3A_47 = vector.multi_reduction <add>, %square3A, %reduce_sum3A_46 [1] : vector<1024x1024xf32> to vector<1024xf32>
    %broadcast_in_dim3A_48 = vector.shape_cast %reduce_sum3A_47 : vector<1024xf32> to vector<1024x1xf32>
    %div3A_49 = vector.broadcast %sub3A_45 : f32 to vector<1024x1xf32>
    %div3A_50 = arith.divf %broadcast_in_dim3A_48, %div3A_49 : vector<1024x1xf32>
    %gt3A = arith.constant 0.000000e+00 : f32
    %gt3A_51 = arith.cmpf ogt, %sub3A_45, %gt3A : f32
    %jit3A_52 = arith.constant 0x7FC00000 : f32
    %broadcast_in_dim3A_53 = vector.broadcast %jit3A_52 : f32 to vector<1024x1xf32>
    %select_n3A = arith.select %gt3A_51, %div3A_50, %broadcast_in_dim3A_53 : vector<1024x1xf32>
    %sub3A_54 = vector.broadcast %div3A_35 : vector<1024x1xf32> to vector<1024x1024xf32>
    %sub3A_55 = arith.subf %add3A_26, %sub3A_54 : vector<1024x1024xf32>
    %add3A_56 = arith.constant 9.99999974E-6 : f32
    %add3A_57 = vector.broadcast %add3A_56 : f32 to vector<1024x1xf32>
    %add3A_58 = arith.addf %select_n3A, %add3A_57 : vector<1024x1xf32>
    %sqrt3A = math.sqrt %add3A_58 : vector<1024x1xf32>
    %div3A_59 = vector.broadcast %sqrt3A : vector<1024x1xf32> to vector<1024x1024xf32>
    %div3A_60 = arith.divf %sub3A_55, %div3A_59 : vector<1024x1024xf32>
    %mul3A_61 = vector.broadcast %get3A_29 : vector<1x1024xf32> to vector<1024x1024xf32>
    %mul3A_62 = arith.mulf %div3A_60, %mul3A_61 : vector<1024x1024xf32>
    %add3A_63 = vector.broadcast %get3A_32 : vector<1x1024xf32> to vector<1024x1024xf32>
    %add3A_64 = arith.addf %mul3A_62, %add3A_63 : vector<1024x1024xf32>
    %convert_element_type3A_65 = arith.truncf %add3A_64 : vector<1024x1024xf32> to vector<1024x1024xbf16>
    %swap3A_66 = arith.constant 0 : index
    %swap3A_67 = arith.constant 0 : index
    %swap3A_68 = vector.load %arg13[%swap3A_66, %swap3A_67] : memref<1024x1024xbf16, #tpu.memory_space<vmem>>, vector<1024x1024xbf16>
    tpu.vector_store %arg13[%swap3A_66, %swap3A_67], %convert_element_type3A_65 {strides = array<i32>} : memref<1024x1024xbf16, #tpu.memory_space<vmem>>, vector<1024x1024xbf16>,
    %get3A_69 = arith.constant 0 : index
    %get3A_70 = arith.constant 0 : index
    %get3A_71 = vector.load %arg8[%get3A_69, %get3A_70] : memref<1024x1024xf32, #tpu.memory_space<vmem>>, vector<1024x1024xf32>
    %convert_element_type3A_72 = arith.truncf %get3A_1 : vector<1024x1024xf32> to vector<1024x1024xbf16>
    %convert_element_type3A_73 = arith.truncf %get3A_71 : vector<1024x1024xf32> to vector<1024x1024xbf16>
    %dot_general3A_74 = arith.constant dense<0.000000e+00> : vector<1024x1024xf32>
    %dot_general3A_75 = tpu.matmul %convert_element_type3A_72, %convert_element_type3A_73, %dot_general3A_74 {dimension_numbers = #tpu.dot_dimension_numbers<[1], [0], [0], [1], [0, 0, 1, 1], [], []>, transpose_lhs_hint = false} : vector<1024x1024xbf16>, vector<1024x1024xbf16>, vector<1024x1024xf32> -> vector<1024x1024xf32>
    %get3A_76 = arith.constant 0 : index
    %get3A_77 = arith.constant 0 : index
    %get3A_78 = vector.load %arg9[%get3A_76, %get3A_77] : memref<1x1024xf32, #tpu.memory_space<vmem>>, vector<1x1024xf32>
    %add3A_79 = vector.broadcast %get3A_78 : vector<1x1024xf32> to vector<1024x1024xf32>
    %add3A_80 = arith.addf %dot_general3A_75, %add3A_79 : vector<1024x1024xf32>
    %get3A_81 = arith.constant 0 : index
    %get3A_82 = arith.constant 0 : index
    %get3A_83 = vector.load %arg10[%get3A_81, %get3A_82] : memref<1x1024xf32, #tpu.memory_space<vmem>>, vector<1x1024xf32>
    %get3A_84 = arith.constant 0 : index
    %get3A_85 = arith.constant 0 : index
    %get3A_86 = vector.load %arg11[%get3A_84, %get3A_85] : memref<1x1024xf32, #tpu.memory_space<vmem>>, vector<1x1024xf32>
    %reduce_sum3A_87 = arith.constant dense<0.000000e+00> : vector<1024xf32>
    %reduce_sum3A_88 = vector.multi_reduction <add>, %add3A_80, %reduce_sum3A_87 [1] : vector<1024x1024xf32> to vector<1024xf32>
    %broadcast_in_dim3A_89 = vector.shape_cast %reduce_sum3A_88 : vector<1024xf32> to vector<1024x1xf32>
    %div3A_90 = arith.constant 1.024000e+03 : f32
    %div3A_91 = vector.broadcast %div3A_90 : f32 to vector<1024x1xf32>
    %div3A_92 = arith.divf %broadcast_in_dim3A_89, %div3A_91 : vector<1024x1xf32>
    %jit3A_93 = arith.constant 0 : i32
    %reduce_sum3A_94 = arith.constant dense<0.000000e+00> : vector<1024xf32>
    %reduce_sum3A_95 = vector.multi_reduction <add>, %add3A_80, %reduce_sum3A_94 [1] : vector<1024x1024xf32> to vector<1024xf32>
    %broadcast_in_dim3A_96 = vector.shape_cast %reduce_sum3A_95 : vector<1024xf32> to vector<1024x1xf32>
    %div3A_97 = arith.constant 1.024000e+03 : f32
    %div3A_98 = vector.broadcast %div3A_97 : f32 to vector<1024x1xf32>
    %div3A_99 = arith.divf %broadcast_in_dim3A_96, %div3A_98 : vector<1024x1xf32>
    %sub3A_100 = vector.broadcast %div3A_99 : vector<1024x1xf32> to vector<1024x1024xf32>
    %sub3A_101 = arith.subf %add3A_80, %sub3A_100 : vector<1024x1024xf32>
    %square3A_102 = arith.mulf %sub3A_101, %sub3A_101 : vector<1024x1024xf32>
    %convert_element_type3A_103 = arith.sitofp %jit3A_93 : i32 to f32
    %sub3A_104 = arith.constant 1.024000e+03 : f32
    %sub3A_105 = arith.subf %sub3A_104, %convert_element_type3A_103 : f32
    %reduce_sum3A_106 = arith.constant dense<0.000000e+00> : vector<1024xf32>
    %reduce_sum3A_107 = vector.multi_reduction <add>, %square3A_102, %reduce_sum3A_106 [1] : vector<1024x1024xf32> to vector<1024xf32>
    %broadcast_in_dim3A_108 = vector.shape_cast %reduce_sum3A_107 : vector<1024xf32> to vector<1024x1xf32>
    %div3A_109 = vector.broadcast %sub3A_105 : f32 to vector<1024x1xf32>
    %div3A_110 = arith.divf %broadcast_in_dim3A_108, %div3A_109 : vector<1024x1xf32>
    %gt3A_111 = arith.constant 0.000000e+00 : f32
    %gt3A_112 = arith.cmpf ogt, %sub3A_105, %gt3A_111 : f32
    %jit3A_113 = arith.constant 0x7FC00000 : f32
    %broadcast_in_dim3A_114 = vector.broadcast %jit3A_113 : f32 to vector<1024x1xf32>
    %select_n3A_115 = arith.select %gt3A_112, %div3A_110, %broadcast_in_dim3A_114 : vector<1024x1xf32>
    %sub3A_116 = vector.broadcast %div3A_92 : vector<1024x1xf32> to vector<1024x1024xf32>
    %sub3A_117 = arith.subf %add3A_80, %sub3A_116 : vector<1024x1024xf32>
    %add3A_118 = arith.constant 9.99999974E-6 : f32
    %add3A_119 = vector.broadcast %add3A_118 : f32 to vector<1024x1xf32>
    %add3A_120 = arith.addf %select_n3A_115, %add3A_119 : vector<1024x1xf32>
    %sqrt3A_121 = math.sqrt %add3A_120 : vector<1024x1xf32>
    %div3A_122 = vector.broadcast %sqrt3A_121 : vector<1024x1xf32> to vector<1024x1024xf32>
    %div3A_123 = arith.divf %sub3A_117, %div3A_122 : vector<1024x1024xf32>
    %mul3A_124 = vector.broadcast %get3A_83 : vector<1x1024xf32> to vector<1024x1024xf32>
    %mul3A_125 = arith.mulf %div3A_123, %mul3A_124 : vector<1024x1024xf32>
    %add3A_126 = vector.broadcast %get3A_86 : vector<1x1024xf32> to vector<1024x1024xf32>
    %add3A_127 = arith.addf %mul3A_125, %add3A_126 : vector<1024x1024xf32>
    %convert_element_type3A_128 = arith.truncf %add3A_127 : vector<1024x1024xf32> to vector<1024x1024xbf16>
    %swap3A_129 = arith.constant 0 : index
    %swap3A_130 = arith.constant 0 : index
    %swap3A_131 = vector.load %arg14[%swap3A_129, %swap3A_130] : memref<1024x1024xbf16, #tpu.memory_space<vmem>>, vector<1024x1024xbf16>
    tpu.vector_store %arg14[%swap3A_129, %swap3A_130], %convert_element_type3A_128 {strides = array<i32>} : memref<1024x1024xbf16, #tpu.memory_space<vmem>>, vector<1024x1024xbf16>,
    %eq3A = arith.constant 3 : i32
    %eq3A_132 = arith.cmpi eq, %arg0, %eq3A : i32
    %convert_element_type3A_133 = arith.extui %eq3A_132 : i1 to i32
    %cond3A = arith.constant 0 : i32
    %cond3A_134 = arith.cmpi ne, %convert_element_type3A_133, %cond3A : i32
    scf.if %cond3A_134 {
      %get3A_135 = arith.constant 0 : index
      %get3A_136 = arith.constant 0 : index
      %get3A_137 = vector.load %arg16[%get3A_135, %get3A_136] : memref<4096x100xf32, #tpu.memory_space<vmem>>, vector<4096x100xf32>
      %iota3A = tpu.iota {dimensions = array<i32: 0>} : vector<4096x100xi32>
      %reduce_max3A = arith.constant dense<0xFF800000> : vector<100xf32>
      %reduce_max3A_138 = vector.multi_reduction <maximumf>, %get3A_137, %reduce_max3A [0] : vector<4096x100xf32> to vector<100xf32>
      %broadcast_in_dim3A_139 = vector.shape_cast %reduce_max3A_138 : vector<100xf32> to vector<1x100xf32>
      %ge3A = vector.broadcast %broadcast_in_dim3A_139 : vector<1x100xf32> to vector<4096x100xf32>
      %ge3A_140 = arith.cmpf oge, %get3A_137, %ge3A : vector<4096x100xf32>
      %jit3A_141 = arith.constant 4096 : i32
      %broadcast_in_dim3A_142 = vector.broadcast %jit3A_141 : i32 to vector<4096x100xi32>
      %select_n3A_143 = arith.select %ge3A_140, %iota3A, %broadcast_in_dim3A_142 : vector<4096x100xi1>, vector<4096x100xi32>
      %reduce_min3A = arith.constant dense<2147483647> : vector<100xi32>
      %reduce_min3A_144 = vector.multi_reduction <minsi>, %select_n3A_143, %reduce_min3A [0] : vector<4096x100xi32> to vector<100xi32>
      %swap3A_145 = arith.constant 0 : index
      %swap3A_146 = arith.constant 0 : index
      %swap3A_147 = vector.load %arg15[%swap3A_145, %swap3A_146] : memref<8x100xi32, #tpu.memory_space<vmem>>, vector<1x100xi32>
      %swap3A_148 = vector.shape_cast %swap3A_147 : vector<1x100xi32> to vector<100xi32>
      %swap3A_149 = vector.shape_cast %reduce_min3A_144 : vector<100xi32> to vector<1x100xi32>
      tpu.vector_store %arg15[%swap3A_145, %swap3A_146], %swap3A_149 {strides = array<i32>} : memref<8x100xi32, #tpu.memory_space<vmem>>, vector<1x100xi32>,
      %broadcast_in_dim3A_150 = vector.shape_cast %reduce_min3A_144 : vector<100xi32> to vector<1x100xi32>
      %eq3A_151 = vector.broadcast %broadcast_in_dim3A_150 : vector<1x100xi32> to vector<4096x100xi32>
      %eq3A_152 = arith.cmpi eq, %iota3A, %eq3A_151 : vector<4096x100xi32>
      %jit3A_153 = arith.constant 0xFF800000 : f32
      %broadcast_in_dim3A_154 = vector.broadcast %jit3A_153 : f32 to vector<4096x100xf32>
      %select_n3A_155 = arith.select %eq3A_152, %broadcast_in_dim3A_154, %get3A_137 : vector<4096x100xi1>, vector<4096x100xf32>
      %reduce_max3A_156 = arith.constant dense<0xFF800000> : vector<100xf32>
      %reduce_max3A_157 = vector.multi_reduction <maximumf>, %select_n3A_155, %reduce_max3A_156 [0] : vector<4096x100xf32> to vector<100xf32>
      %broadcast_in_dim3A_158 = vector.shape_cast %reduce_max3A_157 : vector<100xf32> to vector<1x100xf32>
      %ge3A_159 = vector.broadcast %broadcast_in_dim3A_158 : vector<1x100xf32> to vector<4096x100xf32>
      %ge3A_160 = arith.cmpf oge, %select_n3A_155, %ge3A_159 : vector<4096x100xf32>
      %jit3A_161 = arith.constant 4096 : i32
      %broadcast_in_dim3A_162 = vector.broadcast %jit3A_161 : i32 to vector<4096x100xi32>
      %select_n3A_163 = arith.select %ge3A_160, %iota3A, %broadcast_in_dim3A_162 : vector<4096x100xi1>, vector<4096x100xi32>
      %reduce_min3A_164 = arith.constant dense<2147483647> : vector<100xi32>
      %reduce_min3A_165 = vector.multi_reduction <minsi>, %select_n3A_163, %reduce_min3A_164 [0] : vector<4096x100xi32> to vector<100xi32>
      %swap3A_166 = arith.constant 1 : index
      %swap3A_167 = arith.constant 0 : index
      %swap3A_168 = vector.load %arg15[%swap3A_166, %swap3A_167] : memref<8x100xi32, #tpu.memory_space<vmem>>, vector<1x100xi32>
      %swap3A_169 = vector.shape_cast %swap3A_168 : vector<1x100xi32> to vector<100xi32>
      %swap3A_170 = vector.shape_cast %reduce_min3A_165 : vector<100xi32> to vector<1x100xi32>
      tpu.vector_store %arg15[%swap3A_166, %swap3A_167], %swap3A_170 {strides = array<i32>} : memref<8x100xi32, #tpu.memory_space<vmem>>, vector<1x100xi32>,
      %broadcast_in_dim3A_171 = vector.shape_cast %reduce_min3A_165 : vector<100xi32> to vector<1x100xi32>
      %eq3A_172 = vector.broadcast %broadcast_in_dim3A_171 : vector<1x100xi32> to vector<4096x100xi32>
      %eq3A_173 = arith.cmpi eq, %iota3A, %eq3A_172 : vector<4096x100xi32>
      %jit3A_174 = arith.constant 0xFF800000 : f32
      %broadcast_in_dim3A_175 = vector.broadcast %jit3A_174 : f32 to vector<4096x100xf32>
      %select_n3A_176 = arith.select %eq3A_173, %broadcast_in_dim3A_175, %select_n3A_155 : vector<4096x100xi1>, vector<4096x100xf32>
      %reduce_max3A_177 = arith.constant dense<0xFF800000> : vector<100xf32>
      %reduce_max3A_178 = vector.multi_reduction <maximumf>, %select_n3A_176, %reduce_max3A_177 [0] : vector<4096x100xf32> to vector<100xf32>
      %broadcast_in_dim3A_179 = vector.shape_cast %reduce_max3A_178 : vector<100xf32> to vector<1x100xf32>
      %ge3A_180 = vector.broadcast %broadcast_in_dim3A_179 : vector<1x100xf32> to vector<4096x100xf32>
      %ge3A_181 = arith.cmpf oge, %select_n3A_176, %ge3A_180 : vector<4096x100xf32>
      %jit3A_182 = arith.constant 4096 : i32
      %broadcast_in_dim3A_183 = vector.broadcast %jit3A_182 : i32 to vector<4096x100xi32>
      %select_n3A_184 = arith.select %ge3A_181, %iota3A, %broadcast_in_dim3A_183 : vector<4096x100xi1>, vector<4096x100xi32>
      %reduce_min3A_185 = arith.constant dense<2147483647> : vector<100xi32>
      %reduce_min3A_186 = vector.multi_reduction <minsi>, %select_n3A_184, %reduce_min3A_185 [0] : vector<4096x100xi32> to vector<100xi32>
      %swap3A_187 = arith.constant 2 : index
      %swap3A_188 = arith.constant 0 : index
      %swap3A_189 = vector.load %arg15[%swap3A_187, %swap3A_188] : memref<8x100xi32, #tpu.memory_space<vmem>>, vector<1x100xi32>
      %swap3A_190 = vector.shape_cast %swap3A_189 : vector<1x100xi32> to vector<100xi32>
      %swap3A_191 = vector.shape_cast %reduce_min3A_186 : vector<100xi32> to vector<1x100xi32>
      tpu.vector_store %arg15[%swap3A_187, %swap3A_188], %swap3A_191 {strides = array<i32>} : memref<8x100xi32, #tpu.memory_space<vmem>>, vector<1x100xi32>,
      %broadcast_in_dim3A_192 = vector.shape_cast %reduce_min3A_186 : vector<100xi32> to vector<1x100xi32>
      %eq3A_193 = vector.broadcast %broadcast_in_dim3A_192 : vector<1x100xi32> to vector<4096x100xi32>
      %eq3A_194 = arith.cmpi eq, %iota3A, %eq3A_193 : vector<4096x100xi32>
      %jit3A_195 = arith.constant 0xFF800000 : f32
      %broadcast_in_dim3A_196 = vector.broadcast %jit3A_195 : f32 to vector<4096x100xf32>
      %select_n3A_197 = arith.select %eq3A_194, %broadcast_in_dim3A_196, %select_n3A_176 : vector<4096x100xi1>, vector<4096x100xf32>
      %reduce_max3A_198 = arith.constant dense<0xFF800000> : vector<100xf32>
      %reduce_max3A_199 = vector.multi_reduction <maximumf>, %select_n3A_197, %reduce_max3A_198 [0] : vector<4096x100xf32> to vector<100xf32>
      %broadcast_in_dim3A_200 = vector.shape_cast %reduce_max3A_199 : vector<100xf32> to vector<1x100xf32>
      %ge3A_201 = vector.broadcast %broadcast_in_dim3A_200 : vector<1x100xf32> to vector<4096x100xf32>
      %ge3A_202 = arith.cmpf oge, %select_n3A_197, %ge3A_201 : vector<4096x100xf32>
      %jit3A_203 = arith.constant 4096 : i32
      %broadcast_in_dim3A_204 = vector.broadcast %jit3A_203 : i32 to vector<4096x100xi32>
      %select_n3A_205 = arith.select %ge3A_202, %iota3A, %broadcast_in_dim3A_204 : vector<4096x100xi1>, vector<4096x100xi32>
      %reduce_min3A_206 = arith.constant dense<2147483647> : vector<100xi32>
      %reduce_min3A_207 = vector.multi_reduction <minsi>, %select_n3A_205, %reduce_min3A_206 [0] : vector<4096x100xi32> to vector<100xi32>
      %swap3A_208 = arith.constant 3 : index
      %swap3A_209 = arith.constant 0 : index
      %swap3A_210 = vector.load %arg15[%swap3A_208, %swap3A_209] : memref<8x100xi32, #tpu.memory_space<vmem>>, vector<1x100xi32>
      %swap3A_211 = vector.shape_cast %swap3A_210 : vector<1x100xi32> to vector<100xi32>
      %swap3A_212 = vector.shape_cast %reduce_min3A_207 : vector<100xi32> to vector<1x100xi32>
      tpu.vector_store %arg15[%swap3A_208, %swap3A_209], %swap3A_212 {strides = array<i32>} : memref<8x100xi32, #tpu.memory_space<vmem>>, vector<1x100xi32>,
      %broadcast_in_dim3A_213 = vector.shape_cast %reduce_min3A_207 : vector<100xi32> to vector<1x100xi32>
      %eq3A_214 = vector.broadcast %broadcast_in_dim3A_213 : vector<1x100xi32> to vector<4096x100xi32>
      %eq3A_215 = arith.cmpi eq, %iota3A, %eq3A_214 : vector<4096x100xi32>
      %jit3A_216 = arith.constant 0xFF800000 : f32
      %broadcast_in_dim3A_217 = vector.broadcast %jit3A_216 : f32 to vector<4096x100xf32>
      %select_n3A_218 = arith.select %eq3A_215, %broadcast_in_dim3A_217, %select_n3A_197 : vector<4096x100xi1>, vector<4096x100xf32>
      %reduce_max3A_219 = arith.constant dense<0xFF800000> : vector<100xf32>
      %reduce_max3A_220 = vector.multi_reduction <maximumf>, %select_n3A_218, %reduce_max3A_219 [0] : vector<4096x100xf32> to vector<100xf32>
      %broadcast_in_dim3A_221 = vector.shape_cast %reduce_max3A_220 : vector<100xf32> to vector<1x100xf32>
      %ge3A_222 = vector.broadcast %broadcast_in_dim3A_221 : vector<1x100xf32> to vector<4096x100xf32>
      %ge3A_223 = arith.cmpf oge, %select_n3A_218, %ge3A_222 : vector<4096x100xf32>
      %jit3A_224 = arith.constant 4096 : i32
      %broadcast_in_dim3A_225 = vector.broadcast %jit3A_224 : i32 to vector<4096x100xi32>
      %select_n3A_226 = arith.select %ge3A_223, %iota3A, %broadcast_in_dim3A_225 : vector<4096x100xi1>, vector<4096x100xi32>
      %reduce_min3A_227 = arith.constant dense<2147483647> : vector<100xi32>
      %reduce_min3A_228 = vector.multi_reduction <minsi>, %select_n3A_226, %reduce_min3A_227 [0] : vector<4096x100xi32> to vector<100xi32>
      %swap3A_229 = arith.constant 4 : index
      %swap3A_230 = arith.constant 0 : index
      %swap3A_231 = vector.load %arg15[%swap3A_229, %swap3A_230] : memref<8x100xi32, #tpu.memory_space<vmem>>, vector<1x100xi32>
      %swap3A_232 = vector.shape_cast %swap3A_231 : vector<1x100xi32> to vector<100xi32>
      %swap3A_233 = vector.shape_cast %reduce_min3A_228 : vector<100xi32> to vector<1x100xi32>
      tpu.vector_store %arg15[%swap3A_229, %swap3A_230], %swap3A_233 {strides = array<i32>} : memref<8x100xi32, #tpu.memory_space<vmem>>, vector<1x100xi32>,
      %broadcast_in_dim3A_234 = vector.shape_cast %reduce_min3A_228 : vector<100xi32> to vector<1x100xi32>
      %eq3A_235 = vector.broadcast %broadcast_in_dim3A_234 : vector<1x100xi32> to vector<4096x100xi32>
      %eq3A_236 = arith.cmpi eq, %iota3A, %eq3A_235 : vector<4096x100xi32>
      %jit3A_237 = arith.constant 0xFF800000 : f32
      %broadcast_in_dim3A_238 = vector.broadcast %jit3A_237 : f32 to vector<4096x100xf32>
      %select_n3A_239 = arith.select %eq3A_236, %broadcast_in_dim3A_238, %select_n3A_218 : vector<4096x100xi1>, vector<4096x100xf32>
      %reduce_max3A_240 = arith.constant dense<0xFF800000> : vector<100xf32>
      %reduce_max3A_241 = vector.multi_reduction <maximumf>, %select_n3A_239, %reduce_max3A_240 [0] : vector<4096x100xf32> to vector<100xf32>
      %broadcast_in_dim3A_242 = vector.shape_cast %reduce_max3A_241 : vector<100xf32> to vector<1x100xf32>
      %ge3A_243 = vector.broadcast %broadcast_in_dim3A_242 : vector<1x100xf32> to vector<4096x100xf32>
      %ge3A_244 = arith.cmpf oge, %select_n3A_239, %ge3A_243 : vector<4096x100xf32>
      %jit3A_245 = arith.constant 4096 : i32
      %broadcast_in_dim3A_246 = vector.broadcast %jit3A_245 : i32 to vector<4096x100xi32>
      %select_n3A_247 = arith.select %ge3A_244, %iota3A, %broadcast_in_dim3A_246 : vector<4096x100xi1>, vector<4096x100xi32>
      %reduce_min3A_248 = arith.constant dense<2147483647> : vector<100xi32>
      %reduce_min3A_249 = vector.multi_reduction <minsi>, %select_n3A_247, %reduce_min3A_248 [0] : vector<4096x100xi32> to vector<100xi32>
      %swap3A_250 = arith.constant 5 : index
      %swap3A_251 = arith.constant 0 : index
      %swap3A_252 = vector.load %arg15[%swap3A_250, %swap3A_251] : memref<8x100xi32, #tpu.memory_space<vmem>>, vector<1x100xi32>
      %swap3A_253 = vector.shape_cast %swap3A_252 : vector<1x100xi32> to vector<100xi32>
      %swap3A_254 = vector.shape_cast %reduce_min3A_249 : vector<100xi32> to vector<1x100xi32>
      tpu.vector_store %arg15[%swap3A_250, %swap3A_251], %swap3A_254 {strides = array<i32>} : memref<8x100xi32, #tpu.memory_space<vmem>>, vector<1x100xi32>,
      %broadcast_in_dim3A_255 = vector.shape_cast %reduce_min3A_249 : vector<100xi32> to vector<1x100xi32>
      %eq3A_256 = vector.broadcast %broadcast_in_dim3A_255 : vector<1x100xi32> to vector<4096x100xi32>
      %eq3A_257 = arith.cmpi eq, %iota3A, %eq3A_256 : vector<4096x100xi32>
      %jit3A_258 = arith.constant 0xFF800000 : f32
      %broadcast_in_dim3A_259 = vector.broadcast %jit3A_258 : f32 to vector<4096x100xf32>
      %select_n3A_260 = arith.select %eq3A_257, %broadcast_in_dim3A_259, %select_n3A_239 : vector<4096x100xi1>, vector<4096x100xf32>
      %reduce_max3A_261 = arith.constant dense<0xFF800000> : vector<100xf32>
      %reduce_max3A_262 = vector.multi_reduction <maximumf>, %select_n3A_260, %reduce_max3A_261 [0] : vector<4096x100xf32> to vector<100xf32>
      %broadcast_in_dim3A_263 = vector.shape_cast %reduce_max3A_262 : vector<100xf32> to vector<1x100xf32>
      %ge3A_264 = vector.broadcast %broadcast_in_dim3A_263 : vector<1x100xf32> to vector<4096x100xf32>
      %ge3A_265 = arith.cmpf oge, %select_n3A_260, %ge3A_264 : vector<4096x100xf32>
      %jit3A_266 = arith.constant 4096 : i32
      %broadcast_in_dim3A_267 = vector.broadcast %jit3A_266 : i32 to vector<4096x100xi32>
      %select_n3A_268 = arith.select %ge3A_265, %iota3A, %broadcast_in_dim3A_267 : vector<4096x100xi1>, vector<4096x100xi32>
      %reduce_min3A_269 = arith.constant dense<2147483647> : vector<100xi32>
      %reduce_min3A_270 = vector.multi_reduction <minsi>, %select_n3A_268, %reduce_min3A_269 [0] : vector<4096x100xi32> to vector<100xi32>
      %swap3A_271 = arith.constant 6 : index
      %swap3A_272 = arith.constant 0 : index
      %swap3A_273 = vector.load %arg15[%swap3A_271, %swap3A_272] : memref<8x100xi32, #tpu.memory_space<vmem>>, vector<1x100xi32>
      %swap3A_274 = vector.shape_cast %swap3A_273 : vector<1x100xi32> to vector<100xi32>
      %swap3A_275 = vector.shape_cast %reduce_min3A_270 : vector<100xi32> to vector<1x100xi32>
      tpu.vector_store %arg15[%swap3A_271, %swap3A_272], %swap3A_275 {strides = array<i32>} : memref<8x100xi32, #tpu.memory_space<vmem>>, vector<1x100xi32>,
      %broadcast_in_dim3A_276 = vector.shape_cast %reduce_min3A_270 : vector<100xi32> to vector<1x100xi32>
      %eq3A_277 = vector.broadcast %broadcast_in_dim3A_276 : vector<1x100xi32> to vector<4096x100xi32>
      %eq3A_278 = arith.cmpi eq, %iota3A, %eq3A_277 : vector<4096x100xi32>
      %jit3A_279 = arith.constant 0xFF800000 : f32
      %broadcast_in_dim3A_280 = vector.broadcast %jit3A_279 : f32 to vector<4096x100xf32>
      %select_n3A_281 = arith.select %eq3A_278, %broadcast_in_dim3A_280, %select_n3A_260 : vector<4096x100xi1>, vector<4096x100xf32>
      %reduce_max3A_282 = arith.constant dense<0xFF800000> : vector<100xf32>
      %reduce_max3A_283 = vector.multi_reduction <maximumf>, %select_n3A_281, %reduce_max3A_282 [0] : vector<4096x100xf32> to vector<100xf32>
      %broadcast_in_dim3A_284 = vector.shape_cast %reduce_max3A_283 : vector<100xf32> to vector<1x100xf32>
      %ge3A_285 = vector.broadcast %broadcast_in_dim3A_284 : vector<1x100xf32> to vector<4096x100xf32>
      %ge3A_286 = arith.cmpf oge, %select_n3A_281, %ge3A_285 : vector<4096x100xf32>
      %jit3A_287 = arith.constant 4096 : i32
      %broadcast_in_dim3A_288 = vector.broadcast %jit3A_287 : i32 to vector<4096x100xi32>
      %select_n3A_289 = arith.select %ge3A_286, %iota3A, %broadcast_in_dim3A_288 : vector<4096x100xi1>, vector<4096x100xi32>
      %reduce_min3A_290 = arith.constant dense<2147483647> : vector<100xi32>
      %reduce_min3A_291 = vector.multi_reduction <minsi>, %select_n3A_289, %reduce_min3A_290 [0] : vector<4096x100xi32> to vector<100xi32>
      %swap3A_292 = arith.constant 7 : index
      %swap3A_293 = arith.constant 0 : index
      %swap3A_294 = vector.load %arg15[%swap3A_292, %swap3A_293] : memref<8x100xi32, #tpu.memory_space<vmem>>, vector<1x100xi32>
      %swap3A_295 = vector.shape_cast %swap3A_294 : vector<1x100xi32> to vector<100xi32>
      %swap3A_296 = vector.shape_cast %reduce_min3A_291 : vector<100xi32> to vector<1x100xi32>
      tpu.vector_store %arg15[%swap3A_292, %swap3A_293], %swap3A_296 {strides = array<i32>} : memref<8x100xi32, #tpu.memory_space<vmem>>, vector<1x100xi32>,
    } else {
    }
    return
  }
  func.func @transform_0(%arg0: i32) -> (i32, i32) {
    %c0_i32 = arith.constant 0 : i32
    %c0_i32_0 = arith.constant 0 : i32
    return %arg0, %c0_i32 : i32, i32
  }
  func.func @transform_1(%arg0: i32) -> (i32, i32) {
    %c0_i32 = arith.constant 0 : i32
    %c0_i32_0 = arith.constant 0 : i32
    %c0_i32_1 = arith.constant 0 : i32
    return %c0_i32, %c0_i32_0 : i32, i32
  }
  func.func @transform_2(%arg0: i32) -> (i32, i32) {
    %c0_i32 = arith.constant 0 : i32
    %c0_i32_0 = arith.constant 0 : i32
    %c0_i32_1 = arith.constant 0 : i32
    return %c0_i32, %c0_i32_0 : i32, i32
  }
  func.func @transform_3(%arg0: i32) -> (i32, i32) {
    %c0_i32 = arith.constant 0 : i32
    %c0_i32_0 = arith.constant 0 : i32
    %c0_i32_1 = arith.constant 0 : i32
    return %c0_i32, %c0_i32_0 : i32, i32
  }
  func.func @transform_4(%arg0: i32) -> (i32, i32) {
    %c0_i32 = arith.constant 0 : i32
    %c0_i32_0 = arith.constant 0 : i32
    %c0_i32_1 = arith.constant 0 : i32
    return %c0_i32, %c0_i32_0 : i32, i32
  }
  func.func @transform_5(%arg0: i32) -> (i32, i32) {
    %c0_i32 = arith.constant 0 : i32
    %c0_i32_0 = arith.constant 0 : i32
    %c0_i32_1 = arith.constant 0 : i32
    return %c0_i32, %c0_i32_0 : i32, i32
  }
  func.func @transform_6(%arg0: i32) -> (i32, i32) {
    %c0_i32 = arith.constant 0 : i32
    %c0_i32_0 = arith.constant 0 : i32
    %c0_i32_1 = arith.constant 0 : i32
    return %c0_i32, %c0_i32_0 : i32, i32
  }
  func.func @transform_7(%arg0: i32) -> (i32, i32) {
    %c0_i32 = arith.constant 0 : i32
    %c0_i32_0 = arith.constant 0 : i32
    %c0_i32_1 = arith.constant 0 : i32
    return %c0_i32, %c0_i32_0 : i32, i32
  }
  func.func @transform_8(%arg0: i32) -> (i32, i32) {
    %c0_i32 = arith.constant 0 : i32
    %c0_i32_0 = arith.constant 0 : i32
    %c0_i32_1 = arith.constant 0 : i32
    return %c0_i32, %c0_i32_0 : i32, i32
  }
  func.func @transform_9(%arg0: i32) -> (i32, i32) {
    %c0_i32 = arith.constant 0 : i32
    %c0_i32_0 = arith.constant 0 : i32
    %c0_i32_1 = arith.constant 0 : i32
    return %c0_i32, %c0_i32_0 : i32, i32
  }
  func.func @transform_10(%arg0: i32) -> (i32, i32) {
    %c0_i32 = arith.constant 0 : i32
    %c0_i32_0 = arith.constant 0 : i32
    %c0_i32_1 = arith.constant 0 : i32
    return %c0_i32, %c0_i32_0 : i32, i32
  }
  func.func @transform_11(%arg0: i32) -> (i32, i32) {
    %c0_i32 = arith.constant 0 : i32
    %c0_i32_0 = arith.constant 0 : i32
    return %arg0, %c0_i32 : i32, i32
  }
  func.func @transform_12(%arg0: i32) -> (i32, i32) {
    %c0_i32 = arith.constant 0 : i32
    %c0_i32_0 = arith.constant 0 : i32
    return %arg0, %c0_i32 : i32, i32
  }
  func.func @transform_13(%arg0: i32) -> (i32, i32) {
    %c0_i32 = arith.constant 0 : i32
    %c0_i32_0 = arith.constant 0 : i32
    return %arg0, %c0_i32 : i32, i32
  }
  func.func @transform_14(%arg0: i32) -> (i32, i32) {
    %c0_i32 = arith.constant 0 : i32
    %c0_i32_0 = arith.constant 0 : i32
    %c0_i32_1 = arith.constant 0 : i32
    return %c0_i32, %c0_i32_0 : i32, i32
  }
}

module attributes {stable_mosaic.version = 14 : i64} {
  func.func @_out_kernel(%arg0: memref<16x100x64xf32, #tpu.memory_space<vmem>>, %arg1: memref<1024x1024xf32, #tpu.memory_space<vmem>>, %arg2: memref<1x1024xf32, #tpu.memory_space<vmem>>, %arg3: memref<1x1024xf32, #tpu.memory_space<vmem>>, %arg4: memref<1x1024xf32, #tpu.memory_space<vmem>>, %arg5: memref<100x1024xf32, #tpu.memory_space<vmem>>) attributes {dimension_semantics = [], scalar_prefetch = 0 : i64, scratch_operands = 0 : i64, tpu.core_type = #tpu.core_type<tc>} {
    %get3A = arith.constant 0 : index
    %get3A_0 = arith.constant 0 : index
    %get3A_1 = arith.constant 0 : index
    %get3A_2 = vector.load %arg0[%get3A, %get3A_0, %get3A_1] : memref<16x100x64xf32, #tpu.memory_space<vmem>>, vector<16x100x64xf32>
    %broadcast_in_dim3A = arith.constant 0.000000e+00 : f32
    %broadcast_in_dim3A_3 = vector.broadcast %broadcast_in_dim3A : f32 to vector<100x1024xf32>
    %slice3A = vector.extract_strided_slice %get3A_2 {offsets = [0, 0, 0], sizes = [1, 100, 64], strides = [1, 1, 1]} : vector<16x100x64xf32> to vector<1x100x64xf32>
    %squeeze3A = vector.shape_cast %slice3A : vector<1x100x64xf32> to vector<100x64xf32>
    %get3A_4 = arith.constant 0 : index
    %get3A_5 = arith.constant 0 : index
    %get3A_6 = vector.load %arg1[%get3A_4, %get3A_5] : memref<1024x1024xf32, #tpu.memory_space<vmem>>, vector<64x1024xf32>
    %dot_general3A = arith.constant dense<0.000000e+00> : vector<100x1024xf32>
    %dot_general3A_7 = tpu.matmul %squeeze3A, %get3A_6, %dot_general3A {dimension_numbers = #tpu.dot_dimension_numbers<[1], [0], [0], [1], [0, 0, 1, 1], [], []>, transpose_lhs_hint = false} : vector<100x64xf32>, vector<64x1024xf32>, vector<100x1024xf32> -> vector<100x1024xf32>
    %add3A = arith.addf %broadcast_in_dim3A_3, %dot_general3A_7 : vector<100x1024xf32>
    %slice3A_8 = vector.extract_strided_slice %get3A_2 {offsets = [1, 0, 0], sizes = [1, 100, 64], strides = [1, 1, 1]} : vector<16x100x64xf32> to vector<1x100x64xf32>
    %squeeze3A_9 = vector.shape_cast %slice3A_8 : vector<1x100x64xf32> to vector<100x64xf32>
    %get3A_10 = arith.constant 64 : index
    %get3A_11 = arith.constant 0 : index
    %get3A_12 = vector.load %arg1[%get3A_10, %get3A_11] : memref<1024x1024xf32, #tpu.memory_space<vmem>>, vector<64x1024xf32>
    %dot_general3A_13 = arith.constant dense<0.000000e+00> : vector<100x1024xf32>
    %dot_general3A_14 = tpu.matmul %squeeze3A_9, %get3A_12, %dot_general3A_13 {dimension_numbers = #tpu.dot_dimension_numbers<[1], [0], [0], [1], [0, 0, 1, 1], [], []>, transpose_lhs_hint = false} : vector<100x64xf32>, vector<64x1024xf32>, vector<100x1024xf32> -> vector<100x1024xf32>
    %add3A_15 = arith.addf %add3A, %dot_general3A_14 : vector<100x1024xf32>
    %slice3A_16 = vector.extract_strided_slice %get3A_2 {offsets = [2, 0, 0], sizes = [1, 100, 64], strides = [1, 1, 1]} : vector<16x100x64xf32> to vector<1x100x64xf32>
    %squeeze3A_17 = vector.shape_cast %slice3A_16 : vector<1x100x64xf32> to vector<100x64xf32>
    %get3A_18 = arith.constant 128 : index
    %get3A_19 = arith.constant 0 : index
    %get3A_20 = vector.load %arg1[%get3A_18, %get3A_19] : memref<1024x1024xf32, #tpu.memory_space<vmem>>, vector<64x1024xf32>
    %dot_general3A_21 = arith.constant dense<0.000000e+00> : vector<100x1024xf32>
    %dot_general3A_22 = tpu.matmul %squeeze3A_17, %get3A_20, %dot_general3A_21 {dimension_numbers = #tpu.dot_dimension_numbers<[1], [0], [0], [1], [0, 0, 1, 1], [], []>, transpose_lhs_hint = false} : vector<100x64xf32>, vector<64x1024xf32>, vector<100x1024xf32> -> vector<100x1024xf32>
    %add3A_23 = arith.addf %add3A_15, %dot_general3A_22 : vector<100x1024xf32>
    %slice3A_24 = vector.extract_strided_slice %get3A_2 {offsets = [3, 0, 0], sizes = [1, 100, 64], strides = [1, 1, 1]} : vector<16x100x64xf32> to vector<1x100x64xf32>
    %squeeze3A_25 = vector.shape_cast %slice3A_24 : vector<1x100x64xf32> to vector<100x64xf32>
    %get3A_26 = arith.constant 192 : index
    %get3A_27 = arith.constant 0 : index
    %get3A_28 = vector.load %arg1[%get3A_26, %get3A_27] : memref<1024x1024xf32, #tpu.memory_space<vmem>>, vector<64x1024xf32>
    %dot_general3A_29 = arith.constant dense<0.000000e+00> : vector<100x1024xf32>
    %dot_general3A_30 = tpu.matmul %squeeze3A_25, %get3A_28, %dot_general3A_29 {dimension_numbers = #tpu.dot_dimension_numbers<[1], [0], [0], [1], [0, 0, 1, 1], [], []>, transpose_lhs_hint = false} : vector<100x64xf32>, vector<64x1024xf32>, vector<100x1024xf32> -> vector<100x1024xf32>
    %add3A_31 = arith.addf %add3A_23, %dot_general3A_30 : vector<100x1024xf32>
    %slice3A_32 = vector.extract_strided_slice %get3A_2 {offsets = [4, 0, 0], sizes = [1, 100, 64], strides = [1, 1, 1]} : vector<16x100x64xf32> to vector<1x100x64xf32>
    %squeeze3A_33 = vector.shape_cast %slice3A_32 : vector<1x100x64xf32> to vector<100x64xf32>
    %get3A_34 = arith.constant 256 : index
    %get3A_35 = arith.constant 0 : index
    %get3A_36 = vector.load %arg1[%get3A_34, %get3A_35] : memref<1024x1024xf32, #tpu.memory_space<vmem>>, vector<64x1024xf32>
    %dot_general3A_37 = arith.constant dense<0.000000e+00> : vector<100x1024xf32>
    %dot_general3A_38 = tpu.matmul %squeeze3A_33, %get3A_36, %dot_general3A_37 {dimension_numbers = #tpu.dot_dimension_numbers<[1], [0], [0], [1], [0, 0, 1, 1], [], []>, transpose_lhs_hint = false} : vector<100x64xf32>, vector<64x1024xf32>, vector<100x1024xf32> -> vector<100x1024xf32>
    %add3A_39 = arith.addf %add3A_31, %dot_general3A_38 : vector<100x1024xf32>
    %slice3A_40 = vector.extract_strided_slice %get3A_2 {offsets = [5, 0, 0], sizes = [1, 100, 64], strides = [1, 1, 1]} : vector<16x100x64xf32> to vector<1x100x64xf32>
    %squeeze3A_41 = vector.shape_cast %slice3A_40 : vector<1x100x64xf32> to vector<100x64xf32>
    %get3A_42 = arith.constant 320 : index
    %get3A_43 = arith.constant 0 : index
    %get3A_44 = vector.load %arg1[%get3A_42, %get3A_43] : memref<1024x1024xf32, #tpu.memory_space<vmem>>, vector<64x1024xf32>
    %dot_general3A_45 = arith.constant dense<0.000000e+00> : vector<100x1024xf32>
    %dot_general3A_46 = tpu.matmul %squeeze3A_41, %get3A_44, %dot_general3A_45 {dimension_numbers = #tpu.dot_dimension_numbers<[1], [0], [0], [1], [0, 0, 1, 1], [], []>, transpose_lhs_hint = false} : vector<100x64xf32>, vector<64x1024xf32>, vector<100x1024xf32> -> vector<100x1024xf32>
    %add3A_47 = arith.addf %add3A_39, %dot_general3A_46 : vector<100x1024xf32>
    %slice3A_48 = vector.extract_strided_slice %get3A_2 {offsets = [6, 0, 0], sizes = [1, 100, 64], strides = [1, 1, 1]} : vector<16x100x64xf32> to vector<1x100x64xf32>
    %squeeze3A_49 = vector.shape_cast %slice3A_48 : vector<1x100x64xf32> to vector<100x64xf32>
    %get3A_50 = arith.constant 384 : index
    %get3A_51 = arith.constant 0 : index
    %get3A_52 = vector.load %arg1[%get3A_50, %get3A_51] : memref<1024x1024xf32, #tpu.memory_space<vmem>>, vector<64x1024xf32>
    %dot_general3A_53 = arith.constant dense<0.000000e+00> : vector<100x1024xf32>
    %dot_general3A_54 = tpu.matmul %squeeze3A_49, %get3A_52, %dot_general3A_53 {dimension_numbers = #tpu.dot_dimension_numbers<[1], [0], [0], [1], [0, 0, 1, 1], [], []>, transpose_lhs_hint = false} : vector<100x64xf32>, vector<64x1024xf32>, vector<100x1024xf32> -> vector<100x1024xf32>
    %add3A_55 = arith.addf %add3A_47, %dot_general3A_54 : vector<100x1024xf32>
    %slice3A_56 = vector.extract_strided_slice %get3A_2 {offsets = [7, 0, 0], sizes = [1, 100, 64], strides = [1, 1, 1]} : vector<16x100x64xf32> to vector<1x100x64xf32>
    %squeeze3A_57 = vector.shape_cast %slice3A_56 : vector<1x100x64xf32> to vector<100x64xf32>
    %get3A_58 = arith.constant 448 : index
    %get3A_59 = arith.constant 0 : index
    %get3A_60 = vector.load %arg1[%get3A_58, %get3A_59] : memref<1024x1024xf32, #tpu.memory_space<vmem>>, vector<64x1024xf32>
    %dot_general3A_61 = arith.constant dense<0.000000e+00> : vector<100x1024xf32>
    %dot_general3A_62 = tpu.matmul %squeeze3A_57, %get3A_60, %dot_general3A_61 {dimension_numbers = #tpu.dot_dimension_numbers<[1], [0], [0], [1], [0, 0, 1, 1], [], []>, transpose_lhs_hint = false} : vector<100x64xf32>, vector<64x1024xf32>, vector<100x1024xf32> -> vector<100x1024xf32>
    %add3A_63 = arith.addf %add3A_55, %dot_general3A_62 : vector<100x1024xf32>
    %slice3A_64 = vector.extract_strided_slice %get3A_2 {offsets = [8, 0, 0], sizes = [1, 100, 64], strides = [1, 1, 1]} : vector<16x100x64xf32> to vector<1x100x64xf32>
    %squeeze3A_65 = vector.shape_cast %slice3A_64 : vector<1x100x64xf32> to vector<100x64xf32>
    %get3A_66 = arith.constant 512 : index
    %get3A_67 = arith.constant 0 : index
    %get3A_68 = vector.load %arg1[%get3A_66, %get3A_67] : memref<1024x1024xf32, #tpu.memory_space<vmem>>, vector<64x1024xf32>
    %dot_general3A_69 = arith.constant dense<0.000000e+00> : vector<100x1024xf32>
    %dot_general3A_70 = tpu.matmul %squeeze3A_65, %get3A_68, %dot_general3A_69 {dimension_numbers = #tpu.dot_dimension_numbers<[1], [0], [0], [1], [0, 0, 1, 1], [], []>, transpose_lhs_hint = false} : vector<100x64xf32>, vector<64x1024xf32>, vector<100x1024xf32> -> vector<100x1024xf32>
    %add3A_71 = arith.addf %add3A_63, %dot_general3A_70 : vector<100x1024xf32>
    %slice3A_72 = vector.extract_strided_slice %get3A_2 {offsets = [9, 0, 0], sizes = [1, 100, 64], strides = [1, 1, 1]} : vector<16x100x64xf32> to vector<1x100x64xf32>
    %squeeze3A_73 = vector.shape_cast %slice3A_72 : vector<1x100x64xf32> to vector<100x64xf32>
    %get3A_74 = arith.constant 576 : index
    %get3A_75 = arith.constant 0 : index
    %get3A_76 = vector.load %arg1[%get3A_74, %get3A_75] : memref<1024x1024xf32, #tpu.memory_space<vmem>>, vector<64x1024xf32>
    %dot_general3A_77 = arith.constant dense<0.000000e+00> : vector<100x1024xf32>
    %dot_general3A_78 = tpu.matmul %squeeze3A_73, %get3A_76, %dot_general3A_77 {dimension_numbers = #tpu.dot_dimension_numbers<[1], [0], [0], [1], [0, 0, 1, 1], [], []>, transpose_lhs_hint = false} : vector<100x64xf32>, vector<64x1024xf32>, vector<100x1024xf32> -> vector<100x1024xf32>
    %add3A_79 = arith.addf %add3A_71, %dot_general3A_78 : vector<100x1024xf32>
    %slice3A_80 = vector.extract_strided_slice %get3A_2 {offsets = [10, 0, 0], sizes = [1, 100, 64], strides = [1, 1, 1]} : vector<16x100x64xf32> to vector<1x100x64xf32>
    %squeeze3A_81 = vector.shape_cast %slice3A_80 : vector<1x100x64xf32> to vector<100x64xf32>
    %get3A_82 = arith.constant 640 : index
    %get3A_83 = arith.constant 0 : index
    %get3A_84 = vector.load %arg1[%get3A_82, %get3A_83] : memref<1024x1024xf32, #tpu.memory_space<vmem>>, vector<64x1024xf32>
    %dot_general3A_85 = arith.constant dense<0.000000e+00> : vector<100x1024xf32>
    %dot_general3A_86 = tpu.matmul %squeeze3A_81, %get3A_84, %dot_general3A_85 {dimension_numbers = #tpu.dot_dimension_numbers<[1], [0], [0], [1], [0, 0, 1, 1], [], []>, transpose_lhs_hint = false} : vector<100x64xf32>, vector<64x1024xf32>, vector<100x1024xf32> -> vector<100x1024xf32>
    %add3A_87 = arith.addf %add3A_79, %dot_general3A_86 : vector<100x1024xf32>
    %slice3A_88 = vector.extract_strided_slice %get3A_2 {offsets = [11, 0, 0], sizes = [1, 100, 64], strides = [1, 1, 1]} : vector<16x100x64xf32> to vector<1x100x64xf32>
    %squeeze3A_89 = vector.shape_cast %slice3A_88 : vector<1x100x64xf32> to vector<100x64xf32>
    %get3A_90 = arith.constant 704 : index
    %get3A_91 = arith.constant 0 : index
    %get3A_92 = vector.load %arg1[%get3A_90, %get3A_91] : memref<1024x1024xf32, #tpu.memory_space<vmem>>, vector<64x1024xf32>
    %dot_general3A_93 = arith.constant dense<0.000000e+00> : vector<100x1024xf32>
    %dot_general3A_94 = tpu.matmul %squeeze3A_89, %get3A_92, %dot_general3A_93 {dimension_numbers = #tpu.dot_dimension_numbers<[1], [0], [0], [1], [0, 0, 1, 1], [], []>, transpose_lhs_hint = false} : vector<100x64xf32>, vector<64x1024xf32>, vector<100x1024xf32> -> vector<100x1024xf32>
    %add3A_95 = arith.addf %add3A_87, %dot_general3A_94 : vector<100x1024xf32>
    %slice3A_96 = vector.extract_strided_slice %get3A_2 {offsets = [12, 0, 0], sizes = [1, 100, 64], strides = [1, 1, 1]} : vector<16x100x64xf32> to vector<1x100x64xf32>
    %squeeze3A_97 = vector.shape_cast %slice3A_96 : vector<1x100x64xf32> to vector<100x64xf32>
    %get3A_98 = arith.constant 768 : index
    %get3A_99 = arith.constant 0 : index
    %get3A_100 = vector.load %arg1[%get3A_98, %get3A_99] : memref<1024x1024xf32, #tpu.memory_space<vmem>>, vector<64x1024xf32>
    %dot_general3A_101 = arith.constant dense<0.000000e+00> : vector<100x1024xf32>
    %dot_general3A_102 = tpu.matmul %squeeze3A_97, %get3A_100, %dot_general3A_101 {dimension_numbers = #tpu.dot_dimension_numbers<[1], [0], [0], [1], [0, 0, 1, 1], [], []>, transpose_lhs_hint = false} : vector<100x64xf32>, vector<64x1024xf32>, vector<100x1024xf32> -> vector<100x1024xf32>
    %add3A_103 = arith.addf %add3A_95, %dot_general3A_102 : vector<100x1024xf32>
    %slice3A_104 = vector.extract_strided_slice %get3A_2 {offsets = [13, 0, 0], sizes = [1, 100, 64], strides = [1, 1, 1]} : vector<16x100x64xf32> to vector<1x100x64xf32>
    %squeeze3A_105 = vector.shape_cast %slice3A_104 : vector<1x100x64xf32> to vector<100x64xf32>
    %get3A_106 = arith.constant 832 : index
    %get3A_107 = arith.constant 0 : index
    %get3A_108 = vector.load %arg1[%get3A_106, %get3A_107] : memref<1024x1024xf32, #tpu.memory_space<vmem>>, vector<64x1024xf32>
    %dot_general3A_109 = arith.constant dense<0.000000e+00> : vector<100x1024xf32>
    %dot_general3A_110 = tpu.matmul %squeeze3A_105, %get3A_108, %dot_general3A_109 {dimension_numbers = #tpu.dot_dimension_numbers<[1], [0], [0], [1], [0, 0, 1, 1], [], []>, transpose_lhs_hint = false} : vector<100x64xf32>, vector<64x1024xf32>, vector<100x1024xf32> -> vector<100x1024xf32>
    %add3A_111 = arith.addf %add3A_103, %dot_general3A_110 : vector<100x1024xf32>
    %slice3A_112 = vector.extract_strided_slice %get3A_2 {offsets = [14, 0, 0], sizes = [1, 100, 64], strides = [1, 1, 1]} : vector<16x100x64xf32> to vector<1x100x64xf32>
    %squeeze3A_113 = vector.shape_cast %slice3A_112 : vector<1x100x64xf32> to vector<100x64xf32>
    %get3A_114 = arith.constant 896 : index
    %get3A_115 = arith.constant 0 : index
    %get3A_116 = vector.load %arg1[%get3A_114, %get3A_115] : memref<1024x1024xf32, #tpu.memory_space<vmem>>, vector<64x1024xf32>
    %dot_general3A_117 = arith.constant dense<0.000000e+00> : vector<100x1024xf32>
    %dot_general3A_118 = tpu.matmul %squeeze3A_113, %get3A_116, %dot_general3A_117 {dimension_numbers = #tpu.dot_dimension_numbers<[1], [0], [0], [1], [0, 0, 1, 1], [], []>, transpose_lhs_hint = false} : vector<100x64xf32>, vector<64x1024xf32>, vector<100x1024xf32> -> vector<100x1024xf32>
    %add3A_119 = arith.addf %add3A_111, %dot_general3A_118 : vector<100x1024xf32>
    %slice3A_120 = vector.extract_strided_slice %get3A_2 {offsets = [15, 0, 0], sizes = [1, 100, 64], strides = [1, 1, 1]} : vector<16x100x64xf32> to vector<1x100x64xf32>
    %squeeze3A_121 = vector.shape_cast %slice3A_120 : vector<1x100x64xf32> to vector<100x64xf32>
    %get3A_122 = arith.constant 960 : index
    %get3A_123 = arith.constant 0 : index
    %get3A_124 = vector.load %arg1[%get3A_122, %get3A_123] : memref<1024x1024xf32, #tpu.memory_space<vmem>>, vector<64x1024xf32>
    %dot_general3A_125 = arith.constant dense<0.000000e+00> : vector<100x1024xf32>
    %dot_general3A_126 = tpu.matmul %squeeze3A_121, %get3A_124, %dot_general3A_125 {dimension_numbers = #tpu.dot_dimension_numbers<[1], [0], [0], [1], [0, 0, 1, 1], [], []>, transpose_lhs_hint = false} : vector<100x64xf32>, vector<64x1024xf32>, vector<100x1024xf32> -> vector<100x1024xf32>
    %add3A_127 = arith.addf %add3A_119, %dot_general3A_126 : vector<100x1024xf32>
    %get3A_128 = arith.constant 0 : index
    %get3A_129 = arith.constant 0 : index
    %get3A_130 = vector.load %arg2[%get3A_128, %get3A_129] : memref<1x1024xf32, #tpu.memory_space<vmem>>, vector<1x1024xf32>
    %add3A_131 = vector.broadcast %get3A_130 : vector<1x1024xf32> to vector<100x1024xf32>
    %add3A_132 = arith.addf %add3A_127, %add3A_131 : vector<100x1024xf32>
    %get3A_133 = arith.constant 0 : index
    %get3A_134 = arith.constant 0 : index
    %get3A_135 = vector.load %arg3[%get3A_133, %get3A_134] : memref<1x1024xf32, #tpu.memory_space<vmem>>, vector<1x1024xf32>
    %get3A_136 = arith.constant 0 : index
    %get3A_137 = arith.constant 0 : index
    %get3A_138 = vector.load %arg4[%get3A_136, %get3A_137] : memref<1x1024xf32, #tpu.memory_space<vmem>>, vector<1x1024xf32>
    %reduce_sum3A = arith.constant dense<0.000000e+00> : vector<100xf32>
    %reduce_sum3A_139 = vector.multi_reduction <add>, %add3A_132, %reduce_sum3A [1] : vector<100x1024xf32> to vector<100xf32>
    %broadcast_in_dim3A_140 = vector.shape_cast %reduce_sum3A_139 : vector<100xf32> to vector<100x1xf32>
    %div3A = arith.constant 1.024000e+03 : f32
    %div3A_141 = vector.broadcast %div3A : f32 to vector<100x1xf32>
    %div3A_142 = arith.divf %broadcast_in_dim3A_140, %div3A_141 : vector<100x1xf32>
    %jit3A = arith.constant 0 : i32
    %reduce_sum3A_143 = arith.constant dense<0.000000e+00> : vector<100xf32>
    %reduce_sum3A_144 = vector.multi_reduction <add>, %add3A_132, %reduce_sum3A_143 [1] : vector<100x1024xf32> to vector<100xf32>
    %broadcast_in_dim3A_145 = vector.shape_cast %reduce_sum3A_144 : vector<100xf32> to vector<100x1xf32>
    %div3A_146 = arith.constant 1.024000e+03 : f32
    %div3A_147 = vector.broadcast %div3A_146 : f32 to vector<100x1xf32>
    %div3A_148 = arith.divf %broadcast_in_dim3A_145, %div3A_147 : vector<100x1xf32>
    %sub3A = vector.broadcast %div3A_148 : vector<100x1xf32> to vector<100x1024xf32>
    %sub3A_149 = arith.subf %add3A_132, %sub3A : vector<100x1024xf32>
    %square3A = arith.mulf %sub3A_149, %sub3A_149 : vector<100x1024xf32>
    %convert_element_type3A = arith.sitofp %jit3A : i32 to f32
    %sub3A_150 = arith.constant 1.024000e+03 : f32
    %sub3A_151 = arith.subf %sub3A_150, %convert_element_type3A : f32
    %reduce_sum3A_152 = arith.constant dense<0.000000e+00> : vector<100xf32>
    %reduce_sum3A_153 = vector.multi_reduction <add>, %square3A, %reduce_sum3A_152 [1] : vector<100x1024xf32> to vector<100xf32>
    %broadcast_in_dim3A_154 = vector.shape_cast %reduce_sum3A_153 : vector<100xf32> to vector<100x1xf32>
    %div3A_155 = vector.broadcast %sub3A_151 : f32 to vector<100x1xf32>
    %div3A_156 = arith.divf %broadcast_in_dim3A_154, %div3A_155 : vector<100x1xf32>
    %gt3A = arith.constant 0.000000e+00 : f32
    %gt3A_157 = arith.cmpf ogt, %sub3A_151, %gt3A : f32
    %jit3A_158 = arith.constant 0x7FC00000 : f32
    %broadcast_in_dim3A_159 = vector.broadcast %jit3A_158 : f32 to vector<100x1xf32>
    %select_n3A = arith.select %gt3A_157, %div3A_156, %broadcast_in_dim3A_159 : vector<100x1xf32>
    %sub3A_160 = vector.broadcast %div3A_142 : vector<100x1xf32> to vector<100x1024xf32>
    %sub3A_161 = arith.subf %add3A_132, %sub3A_160 : vector<100x1024xf32>
    %add3A_162 = arith.constant 9.99999974E-6 : f32
    %add3A_163 = vector.broadcast %add3A_162 : f32 to vector<100x1xf32>
    %add3A_164 = arith.addf %select_n3A, %add3A_163 : vector<100x1xf32>
    %sqrt3A = math.sqrt %add3A_164 : vector<100x1xf32>
    %div3A_165 = vector.broadcast %sqrt3A : vector<100x1xf32> to vector<100x1024xf32>
    %div3A_166 = arith.divf %sub3A_161, %div3A_165 : vector<100x1024xf32>
    %mul3A = vector.broadcast %get3A_135 : vector<1x1024xf32> to vector<100x1024xf32>
    %mul3A_167 = arith.mulf %div3A_166, %mul3A : vector<100x1024xf32>
    %add3A_168 = vector.broadcast %get3A_138 : vector<1x1024xf32> to vector<100x1024xf32>
    %add3A_169 = arith.addf %mul3A_167, %add3A_168 : vector<100x1024xf32>
    %swap3A = arith.constant 0 : index
    %swap3A_170 = arith.constant 0 : index
    %swap3A_171 = vector.load %arg5[%swap3A, %swap3A_170] : memref<100x1024xf32, #tpu.memory_space<vmem>>, vector<100x1024xf32>
    tpu.vector_store %arg5[%swap3A, %swap3A_170], %add3A_169 {strides = array<i32>} : memref<100x1024xf32, #tpu.memory_space<vmem>>, vector<100x1024xf32>,
    return
  }
}

</mosaic_0001>

<sc_bundles>
// kernel: kernel.7.cloned.1.call-start
scs
__scs_entry_jumppad:
0x0: {  	(pc) =	sbr.rel $0x88, $3  }
0x1: {  	(tag) =	ssettag $0x0;
	lr =	simm.s32 $0x1  }
0x2: {  	[smem:$0x3F8E] =	sst lr;
	_ =	strace $0xD0000000  }
0x3: {  	_ = 	snop  }
0x4: {  	_ = 	snop  }
0x5: {  	_ = 	snop  }
0x6: {  	_ = 	snop  }
0x7: {  	_ = 	snop  }
__scs_overlays_trampoline_lowered:
0x8: {  	[smem:$0x3F9D] =	sst s0  }
0x9: {  	[smem:$0x3F9E] =	sst s1  }
0xa: {  	[smem:$0x3F9F] =	sst s2  }
0xb: {  	[smem:$0x3FA0] =	sst s3  }
0xc: {  	[smem:$0x3FA1] =	sst s4  }
0xd: {  	[smem:$0x3FA2] =	sst s5  }
0xe: {  	[smem:$0x3FA3] =	sst s6  }
0xf: {  	[smem:$0x3FA4] =	sst s7  }
0x10: {  	[smem:$0x3FA5] =	sst s8  }
0x11: {  	[smem:$0x3FA6] =	sst s9;
	s0 =	simm.s32 @!p0 $0x0  }
0x12: {  	s1 =	sld [smem:$0x3F8C];
	s0 =	simm.s32 @p0 $0x1  }
0x13: {  	[smem:$0x3FA7] =	sst s0;
	s0 =	simm.s32 @!p1 $0x0  }
0x14: {  	s2 =	sld [smem:$0x3F8B];
	s0 =	simm.s32 @p1 $0x1  }
0x15: {  	[smem:$0x3FA8] =	sst s0;
	s0 =	simm.s32 @!p2 $0x0  }
0x16: {  	s3 =	sld [smem:$0x3FDB];
	s0 =	simm.s32 @p2 $0x1  }
0x17: {  	s4 =	simm.s32 $0x1BF5;
	[smem:$0x3FAA] =	sst s0  }
0x18: {  	s0 =	sld [smem:$0x3F8D];
	_ =	swait.ge [sflag:s4], $0x0  }
0x19: {  	s7 =	sld [smem:$0x3F8E]  }
0x1a: {  	s8 =	sadd.s32 $0xFFFFE003, lr  }
0x1b: {  	s9 =	sadd.s32 $0xFFFFFEF7, lr;
	s5 =	simm.s32 $0xFFFFFFFF;
	p2 =	slt.u32 s8, $0xFFFFF086  }
0x1c: {  	p1 =	slt.u32 s9, $0xF7A;
	s5 =	simm.s32 @!p2 $0x0  }
0x1d: {  	s5 =	simm.s32 @p1 $0x1;
	p0 =	seq.s32 s7, s2  }
0x1e: {  	s7 =	smul.u32 @!p0 $0xF7A, s2;
	p2 =	seq.s32 @!p0 s5, $0x0  }
0x1f: {  	s9 =	smul.u32 $0xF7A, s1;
	s8 =	simm.s32 @!p0 $0x1BF5;
	p2 =	por !p2, p0  }
0x20: {  	[sflag:s8] =	ssyncset.s32 @!p0 $0xFFFFF086;
	s6 =	sadd.s32 @!p0 s3, s7;
	s7 =	simm.s32 @!p0 $0x108  }
0x21: {  	s3 =	sadd.s32 s3, s9;
	s6 =	sadd.s32 @!p0 $0x88, s6;
	s7 =	simm.s32 @p2 $0x1082  }
0x22: {  	[simem:s7], [sflag:s8] =	dma.local @!p0 [hbm:s6], $0xF7A  }
0x23: {  	s9 =	sor.u32 $0xD0000000, s2;
	s6 =	simm.s32 $0x108;
	_ =	swait.ge @!p0 [sflag:s8], $0x0  }
0x24: {  	s3 =	sadd.s32 $0x88, s3;
	s6 =	simm.s32 @!p1 $0x1082;
	[sflag:s4] =	ssyncset.s32 $0xFFFFF086  }
0x25: {  	[simem:s6], [sflag:s4] =	dma.local [hbm:s3], $0xF7A  }
0x26: {  	[smem:$0x3F8E] =	sst s1;
	(tag) =	ssettag s2;
	_ =	strace s9  }
0x27: {  	s1 =	sld [smem:$0x3F9E]  }
0x28: {  	s2 =	sld [smem:$0x3F9F]  }
0x29: {  	s4 =	sld [smem:$0x3FA1]  }
0x2a: {  	p0 =	seq.s32 s5, $0x0;
	s5 =	sld [smem:$0x3FA2]  }
0x2b: {  	s6 =	sld [smem:$0x3FA3]  }
0x2c: {  	s7 =	sld [smem:$0x3FA4]  }
0x2d: {  	s3 =	simm.s32 $0x108;
	s8 =	sld [smem:$0x3FA5]  }
0x2e: {  	s3 =	simm.s32 @!p0 $0x1082;
	s9 =	sld [smem:$0x3FA6]  }
0x2f: {  	lr =	sadd.s32 s0, s3;
	s0 =	sld [smem:$0x3F9D]  }
0x30: {  	s3 =	sld [smem:$0x3FA0]  }
0x31: {  	[smem:$0x3FA9] =	sst s10  }
0x32: {  	s10 =	sld [smem:$0x3FA7];
	_ =	sdelay $0x3  }
0x33: {  	p0 =	seq.s32 s10, $0x1;
	s10 =	sld [smem:$0x3FA9];
	_ =	sdelay $0x3  }
0x34: {  	[smem:$0x3FA9] =	sst s10  }
0x35: {  	s10 =	sld [smem:$0x3FA8];
	_ =	sdelay $0x3  }
0x36: {  	p1 =	seq.s32 s10, $0x1;
	s10 =	sld [smem:$0x3FA9];
	_ =	sdelay $0x3  }
0x37: {  	[smem:$0x3FA9] =	sst s10  }
0x38: {  	s10 =	sld [smem:$0x3FAA]  }
0x39: {  	_ = 	snop;
	(pc) =	sbr.ind lr, $3  }
0x3a: {  	_ = 	snop  }
0x3b: {  	_ = 	snop  }
0x3c: {  	p2 =	seq.s32 s10, $0x1;
	s10 =	sld [smem:$0x3FA9]  }
0x3d: {  	_ =	shalt  }
0x3e: {  	_ =	shalt  }
0x3f: {  	_ =	shalt  }
0x40: {  	_ =	shalt  }
0x41: {  	_ =	shalt  }
0x42: {  	_ =	shalt  }
0x43: {  	_ =	shalt  }
0x44: {  	_ =	shalt  }
0x45: {  	_ =	shalt  }
0x46: {  	_ =	shalt  }
0x47: {  	_ =	shalt  }
0x48: {  	_ =	shalt  }
0x49: {  	_ =	shalt  }
0x4a: {  	_ =	shalt  }
0x4b: {  	_ =	shalt  }
0x4c: {  	_ =	shalt  }
0x4d: {  	_ =	shalt  }
0x4e: {  	_ =	shalt  }
0x4f: {  	_ =	shalt  }
0x50: {  	_ =	shalt  }
0x51: {  	_ =	shalt  }
0x52: {  	_ =	shalt  }
0x53: {  	_ =	shalt  }
0x54: {  	_ =	shalt  }
0x55: {  	_ =	shalt  }
0x56: {  	_ =	shalt  }
0x57: {  	_ =	shalt  }
0x58: {  	_ =	shalt  }
0x59: {  	_ =	shalt  }
0x5a: {  	_ =	shalt  }
0x5b: {  	_ =	shalt  }
0x5c: {  	_ =	shalt  }
0x5d: {  	_ =	shalt  }
0x5e: {  	_ =	shalt  }
0x5f: {  	_ =	shalt  }
0x60: {  	_ =	shalt  }
0x61: {  	_ =	shalt  }
0x62: {  	_ =	shalt  }
0x63: {  	_ =	shalt  }
0x64: {  	_ =	shalt  }
0x65: {  	_ =	shalt  }
0x66: {  	_ =	shalt  }
0x67: {  	_ =	shalt  }
0x68: {  	_ =	shalt  }
0x69: {  	_ =	shalt  }
0x6a: {  	_ =	shalt  }
0x6b: {  	_ =	shalt  }
0x6c: {  	_ =	shalt  }
0x6d: {  	_ =	shalt  }
0x6e: {  	_ =	shalt  }
0x6f: {  	_ =	shalt  }
0x70: {  	_ =	shalt  }
0x71: {  	_ =	shalt  }
0x72: {  	_ =	shalt  }
0x73: {  	_ =	shalt  }
0x74: {  	_ =	shalt  }
0x75: {  	_ =	shalt  }
0x76: {  	_ =	shalt  }
0x77: {  	_ =	shalt  }
0x78: {  	_ =	shalt  }
0x79: {  	_ =	shalt  }
0x7a: {  	_ =	shalt  }
0x7b: {  	_ =	shalt  }
0x7c: {  	_ =	shalt  }
0x7d: {  	_ =	shalt  }
0x7e: {  	_ =	shalt  }
0x7f: {  	_ =	shalt  }
0x80: {  	_ =	shalt  }
0x81: {  	_ =	shalt  }
0x82: {  	_ =	shalt  }
0x83: {  	_ =	shalt  }
0x84: {  	_ =	shalt  }
0x85: {  	_ =	shalt  }
0x86: {  	_ =	shalt  }
0x87: {  	_ =	shalt  }
.Lfunc_end0:
.L_simem_size_0:
called_computation_lowered:
.L_overlay_start_0:
0x88: {  	s2 =	sld [smem:$0x3FD9]  }
0x89: {  	s3 =	sld [smem:$0x3FFE];
	_ =	sdelay $0x1  }
0x8a: {  	s1 =	srdreg.scid  }
0x8b: {  	s0 =	sand.u32 $0x1, s1  }
0x8c: {  	s14 =	sshll.u32 s0, $0xA;
	s2 =	sadd.s32 s3, s2  }
0x8d: {  	s2 =	sadd.s32 s2, s14  }
0x8e: {  	[smem:$0x3FB5] =	sst s2  }
0x8f: {  	_ = 	snop  }
0x90: {  	s2 =	sld [smem:$0x3FD0];
	_ =	sdelay $0x2  }
0x91: {  	s4 =	simm.s32 $0xA;
	s5 =	simm.s32 $0x10;
	s15 =	sld [smem:$0x3FC9]  }
0x92: {  	[smem:s5], [sflag:s4] =	dma.local [hbm:s2], $0x1  }
0x93: {  	_ =	swait.eq [sflag:s4], $0x1  }
0x94: {  	[sflag:s4] =	ssyncset.done $0x0  }
0x95: {  	[sflag:s4] =	ssyncadd.s32 $0xFFFFFFFF  }
0x96: {  	s16 =	sld [smem:$0x10];
	(tm) =	ssettm $0x1  }
0x97: {  	s17 =	sld [smem:$0x3FFB];
	_ =	sdelay $0x3  }
0x98: {  	_ =	strace s17  }
0x99: {  	s4 =	sld [smem:$0x3FFC];
	_ =	sdelay $0x3  }
0x9a: {  	_ =	strace s4  }
0x9b: {  	s4 =	sld [smem:$0x3FFD];
	_ =	sdelay $0x3  }
0x9c: {  	_ =	strace s4  }
0x9d: {  	_ =	strace $0x8FFFFFFF  }
0x9e: {  	s18 =	sld [smem:$0x3FDB];
	_ =	sdelay $0x1  }
0x9f: {  	s19 =	simm.s32 $_scs_section_size  }
0xa0: {  	s6 =	simm.s32 $_size__tile_overlayer_lowered;
	s7 =	simm.s32 $_tile_overlayer_lowered  }
0xa1: {  	s22 =	simm.s32 $0x1BFF;
	s21 =	sshll.u32 s7, $0x1;
	s4 =	sadd.s32 s19, s18  }
0xa2: {  	s8 =	simm.s32 $0x0;
	s20 =	sshll.u32 s6, $0x1;
	s6 =	sadd.s32 s21, s4  }
0xa3: {  	[timem:s8], [sflag:s22] =	dma.local [hbm:s6], s20  }
0xa4: {  	_ =	swait.ge [sflag:s22], s20  }
0xa5: {  	s5 =	ssub.s32 $0x0, s20;
	[sflag:s22] =	ssyncset.done $0x0  }
0xa6: {  	[sflag:s22] =	ssyncadd.s32 s5;
	_ =	sdelay $0x1  }
0xa7: {  	s23 =	simm.s32 $0x1B8B  }
0xa8: {  	_ =	swait.ge [sflag:s23], $0x1  }
0xa9: {  	[sflag:s23] =	ssyncset.done $0x0  }
0xaa: {  	s25 =	simm.s32 $0x1B8E;
	s24 =	sld [smem:$0x3FFE];
	[sflag:s23] =	ssyncadd.s32 $0xFFFFFFFF  }
0xab: {  	s26 =	simm.s32 $execute0_lowered;
	[smem:$0x3FD2] =	sst s25  }
0xac: {  	s6 =	sshll.u32 s26, $0x1;
	_ =	strace $0x80000046;
	[dreg:$0x1] =	wrdreg $0xFFFFFFFF  }
0xad: {  	s28 =	simm.s32 $_size_execute0_lowered;
	s4 =	sadd.s32 s4, s6;
	[dreg:$0x0] =	wrdreg $0x0  }
0xae: {  	s6 =	sshll.u32 s28, $0x1;
	[dreg:$0x2] =	wrdreg s4  }
0xaf: {  	[dreg:$0x3] =	wrdreg s6  }
0xb0: {  	[dreg:$0x4] =	wrdreg $0xC0  }
0xb1: {  	_ =	task [dreg:s8], $0x5FFFF  }
0xb2: {  	[dreg:$0x1] =	wrdreg $0xFFFFFFFF  }
0xb3: {  	[dreg:$0x0] =	wrdreg $0x60  }
0xb4: {  	[dreg:$0x2] =	wrdreg s15  }
0xb5: {  	[dreg:$0x3] =	wrdreg s16  }
0xb6: {  	[dreg:$0x4] =	wrdreg s24  }
0xb7: {  	[dreg:$0x5] =	wrdreg $0x9  }
0xb8: {  	_ =	task.clear_ibuf [dreg:s8], $0x6FFFF;
	_ =	strace $0x90000046  }
0xb9: {  	s29 =	simm.s32 $0x9;
	_ =	strace $0x80000048  }
0xba: {  	_ =	swait.ge [sflag:s29], $0x1  }
0xbb: {  	[sflag:s29] =	ssyncadd.s32 $0xFFFFFFFF  }
0xbc: {  	_ =	strace $0x90000048  }
0xbd: {  	_ =	sfence  }
0xbe: {  	s30 =	sld [smem:$0x0];
	_ =	sdelay $0x2  }
0xbf: {  	s31 =	sshll.u32 s1, $0xD;
	s1 =	sshrl.u32 s1, $0x2  }
0xc0: {  	s3 =	sand.u32 $0x4000, s31;
	s1 =	sadd.s32 s1, s30  }
0xc1: {  	s0 =	sor.u32 s3, s0;
	s1 =	sshll.u32 s1, $0x11  }
0xc2: {  	s0 =	sor.u32 s1, s0  }
0xc3: {  	s0 =	sadd.s32 $0x8F2B, s0  }
0xc4: {  	[sflag:s0] =	ssyncadd.remote.s32 $0x1  }
0xc5: {  	_ =	sfence.sel $0xFFFF  }
0xc6: {  	[dreg:$0x0] =	wrdreg $0xFFFFFFFF;
	(pc) =	sbr.abs _section_cstart, $3  }
0xc7: {  	[dreg:$0x1] =	wrdreg $0xFFFFFFFF  }
0xc8: {  	_ =	task.clear_ibuf [dreg:s8], $0x2FFFF;
	_ =	strace $0x9FFFFFFF  }
0xc9: {  	(tm) =	ssettm $0x7FFFFFFF  }
tec
execute0_lowered:
.L_overlay_start_1:
0x0: {  	(tag) =	ssettag $0x1  }
0x1: {  	s1 =	rddreg [dreg:$0x0]  }
0x2: {  	s4 =	rddreg [dreg:$0x1]  }
0x3: {  	s5 =	rddreg [dreg:$0x2];
	s3 =	srdreg.scid  }
0x4: {  	s0 =	rddreg [dreg:$0x3];
	s2 =	stileid.u32;
	s10 =	simm.s32 $0x2  }
0x5: {  	s11 =	simm.s32 $0x80;
	s12 =	simm.s32 $0x880;
	s13 =	simm.s32 $0x1080  }
0x6: {  	s14 =	simm.s32 $0x1880;
	s15 =	simm.s32 $0x2080;
	s16 =	simm.s32 $0x2880  }
0x7: {  	s17 =	simm.s32 $0x3080;
	s18 =	simm.s32 $0x3880;
	s19 =	simm.s32 $0x4080  }
0x8: {  	s20 =	simm.s32 $0x4880;
	s21 =	simm.s32 $0x5080;
	s22 =	simm.s32 $0x5880  }
0x9: {  	s23 =	simm.s32 $0x6080;
	s24 =	simm.s32 $0x6880;
	s25 =	simm.s32 $0x7080  }
0xa: {  	s26 =	simm.s32 $0x7880;
	s28 =	simm.s32 $0x1;
	s6 =	sand.u32 $0x1, s3  }
0xb: {  	s3 =	simm.s32 $0x0;
	s7 =	sshll.u32 s2, $0x6;
	s8 =	sshll.u32 s6, $0x5  }
0xc: {  	[smem:$0x7FF] =	sst s3;
	s6 =	ssub.s32 $0x2, s6;
	s7 =	sor.u32 s8, s7  }
0xd: {  	_ =	strace $0x80000047;
	s9 =	sshrl.u32 s6, $0x1;
	s8 =	sshll.u32 s7, $0x7  }
0xe: {  	v2 =	vlaneseq.u32;
	s9 =	ssub.s32 s6, s9;
	s31 =	sshrl.u32 s7, $0x3;
	s6 =	sadd.s32 $0x200, s1  }
0xf: {  	vm0 =	vmmov $0xffff;
	v1 =	vshrl.u32 v2, $0x3;
	s7 =	sadd.s32 $0x300, s1;
	s8 =	sadd.s32 s8, s5;
	s4 =	sadd.s32 s4, s31  }
0x10: {  	v0 =	vand.u32 $0x7, v2;
	v2 =	vor.u32 $0x8, v2;
	v1 =	vmul.u32 $0x8, v1;
	s5 =	sadd.s32 $0x100, s1;
	s9 =	smax.u32 s9, $0x1;
	s8 =	sadd.s32 $0x2C00, s8  }
.LBB2_1:
0x11: {  	[tilespmem:s3], [sflag:$0x2] =	stream.linear.gather [hbm4b:s4+s3], $0x20, $0x38;
	[tilespmem:$0x8080] =	vst v63  }
0x12: {  	_ =	swait.ge [sflag:s10], $0x20  }
0x13: {  	[sflag:s10] =	ssyncset.done $0x0  }
0x14: {  	[sflag:s10] =	ssyncadd.s32 $0xFFFFFFE0  }
0x15: {  	v3 =	vld [tilespmem:$0x0];
	_ =	sdelay $0x4  }
0x16: {  	v4 =	vshll.u32 v3, $0x3  }
0x17: {  	v3 =	vand.u32 $0x7, v3;
	v4 =	vand.u32 $0xFFFFFFC0, v4  }
0x18: {  	v3 =	vor.u32 v3, v4  }
0x19: {  	v4 =	vperm.xlane v3, v0;
	_ =	sdelay $0x1  }
0x1a: {  	v4 =	vadd.s32 v1, v4;
	_ =	sdelay $0x4  }
0x1b: {  	[tilespmem:s11], [sflag:$0x1] =	stream.indirect_vreg.gather [hbm4b:s1+s3], $0x80, v4, vm0, $0xb8;
	[tilespmem:$0x8080] =	vst v63  }
0x1c: {  	v3 =	vperm.xlane v3, v2  }
0x1d: {  	[tilespmem:s12], [sflag:$0x1] =	stream.indirect_vreg.gather [hbm4b:s5+s3], $0x80, v4, vm0, $0xb8;
	[tilespmem:$0x8080] =	vst v63  }
0x1e: {  	v3 =	vadd.s32 v1, v3  }
0x1f: {  	[tilespmem:s13], [sflag:$0x1] =	stream.indirect_vreg.gather [hbm4b:s6+s3], $0x80, v4, vm0, $0xb8;
	[tilespmem:$0x8080] =	vst v63  }
0x20: {  	_ = 	snop  }
0x21: {  	[tilespmem:s14], [sflag:$0x1] =	stream.indirect_vreg.gather [hbm4b:s7+s3], $0x80, v4, vm0, $0xb8;
	[tilespmem:$0x8080] =	vst v63  }
0x22: {  	_ = 	snop  }
0x23: {  	[tilespmem:s15], [sflag:$0x1] =	stream.indirect_vreg.gather [hbm4b:s1+s3], $0x80, v3, vm0, $0xb8;
	[tilespmem:$0x8080] =	vst v63  }
0x24: {  	_ = 	snop  }
0x25: {  	[tilespmem:s16], [sflag:$0x1] =	stream.indirect_vreg.gather [hbm4b:s5+s3], $0x80, v3, vm0, $0xb8;
	[tilespmem:$0x8080] =	vst v63  }
0x26: {  	_ = 	snop  }
0x27: {  	[tilespmem:s17], [sflag:$0x1] =	stream.indirect_vreg.gather [hbm4b:s6+s3], $0x80, v3, vm0, $0xb8;
	[tilespmem:$0x8080] =	vst v63  }
0x28: {  	_ = 	snop  }
0x29: {  	[tilespmem:s18], [sflag:$0x1] =	stream.indirect_vreg.gather [hbm4b:s7+s3], $0x80, v3, vm0, $0xb8;
	[tilespmem:$0x8080] =	vst v63  }
0x2a: {  	v3 =	vld [tilespmem:$0x10];
	_ =	sdelay $0x4  }
0x2b: {  	v63 =	vshll.u32 v3, $0x3  }
0x2c: {  	v3 =	vand.u32 $0x7, v3;
	v4 =	vand.u32 $0xFFFFFFC0, v63  }
0x2d: {  	v3 =	vor.u32 v3, v4  }
0x2e: {  	v4 =	vperm.xlane v3, v0;
	_ =	sdelay $0x1  }
0x2f: {  	v4 =	vadd.s32 v1, v4;
	_ =	sdelay $0x4  }
0x30: {  	[tilespmem:s19], [sflag:$0x1] =	stream.indirect_vreg.gather [hbm4b:s1+s3], $0x80, v4, vm0, $0xb8;
	[tilespmem:$0x8080] =	vst v63  }
0x31: {  	v3 =	vperm.xlane v3, v2  }
0x32: {  	[tilespmem:s20], [sflag:$0x1] =	stream.indirect_vreg.gather [hbm4b:s5+s3], $0x80, v4, vm0, $0xb8;
	[tilespmem:$0x8080] =	vst v63  }
0x33: {  	v3 =	vadd.s32 v1, v3  }
0x34: {  	[tilespmem:s21], [sflag:$0x1] =	stream.indirect_vreg.gather [hbm4b:s6+s3], $0x80, v4, vm0, $0xb8;
	[tilespmem:$0x8080] =	vst v63  }
0x35: {  	_ = 	snop  }
0x36: {  	[tilespmem:s22], [sflag:$0x1] =	stream.indirect_vreg.gather [hbm4b:s7+s3], $0x80, v4, vm0, $0xb8;
	[tilespmem:$0x8080] =	vst v63  }
0x37: {  	_ = 	snop  }
0x38: {  	[tilespmem:s23], [sflag:$0x1] =	stream.indirect_vreg.gather [hbm4b:s1+s3], $0x80, v3, vm0, $0xb8;
	[tilespmem:$0x8080] =	vst v63  }
0x39: {  	_ = 	snop  }
0x3a: {  	[tilespmem:s24], [sflag:$0x1] =	stream.indirect_vreg.gather [hbm4b:s5+s3], $0x80, v3, vm0, $0xb8;
	[tilespmem:$0x8080] =	vst v63  }
0x3b: {  	_ = 	snop  }
0x3c: {  	[tilespmem:s25], [sflag:$0x1] =	stream.indirect_vreg.gather [hbm4b:s6+s3], $0x80, v3, vm0, $0xb8;
	[tilespmem:$0x8080] =	vst v63  }
0x3d: {  	_ = 	snop  }
0x3e: {  	[tilespmem:s26], [sflag:$0x1] =	stream.indirect_vreg.gather [hbm4b:s7+s3], $0x80, v3, vm0, $0xb8;
	[tilespmem:$0x8080] =	vst v63  }
0x3f: {  	_ =	swait.ge [sflag:s28], $0x8000  }
0x40: {  	p0 =	sne.s32 s9, $0x1;
	[sflag:s28] =	ssyncset.done $0x0  }
.Ltmp0:
0x41: {  	[sflag:s28] =	ssyncadd.s32 $0xFFFF8000;
	(pc) =	sbr.rel @p0 .LBB2_1-.Ltmp0, $4  }
0x42: {  	[hbm4b:s8+s3] =	stream.linear.scatter [tilespmem:s11], [sflag:$0x2], $0x8000, $0x38;
	[tilespmem:$0x8080] =	vst v63  }
0x43: {  	_ =	swait.ge [sflag:s10], $0x8000  }
0x44: {  	[sflag:s10] =	ssyncset.done $0x0  }
0x45: {  	s9 =	sadd.s32 $0xFFFFFFFF, s9;
	[sflag:s10] =	ssyncadd.s32 $0xFFFF8000  }
0x46: {  	_ =	sfence.sel $0x180000  }
0x47: {  	[bflag:$0x0] =	sbarrier.arrive $0xFFFF  }
0x48: {  	p0 =	sne.s32 s2, $0x0;
	_ =	strace $0x90000047  }
0x49: {  	s0 =	sadd.s32 @!p0 $0x100000, s0;
	[bflag:$0x2] =	sbarrier.arrive $0xFFFF  }
0x4a: {  	[sflag:s0] =	ssyncadd.tile.s32 @!p0 $0x1;
	_ =	shalt  }
.Lfunc_end2:
_tile_overlayer_lowered:
.L_overlay_start_2:
0x4b: {  	(tag) =	ssettag $0x2  }
0x4c: {  	s0 =	rddreg [dreg:$0x0];
	s2 =	stileid.u32  }
0x4d: {  	s1 =	rddreg [dreg:$0x1];
	p0 =	sne.s32 s2, $0x0  }
0x4e: {  	s3 =	rddreg [dreg:$0x2];
	[bflag:$0x3] =	sbarrier.arrive $0xFFFF;
	s2 =	simm.s32 @!p0 $0x1C02  }
0x4f: {  	[timem:s3], [sflag:s2] =	dma.local @!p0 [hbm:s0], s1  }
0x50: {  	s0 =	simm.s32 @!p0 $0x2  }
0x51: {  	_ =	swait.ge @!p0 [sflag:s0], s1  }
0x52: {  	s1 =	ssub.s32 @!p0 $0x0, s1;
	[sflag:s0] =	ssyncset.done @!p0 $0x0  }
0x53: {  	[sflag:s0] =	ssyncadd.s32 @!p0 s1  }
0x54: {  	[bflag:$0x3] =	sbarrier.arrive $0xFFFF  }
0x55: {  	_ =	shalt  }

</sc_bundles>
